<compile_context>
chip_gen: v7x
topology: tpu7x:2x2x1
jax: 0.10.2.dev20260603
libtpu: 0.0.44.dev20260713+nightly
codegen_flags: <defaults>
</compile_context>

<pallas_src>
import jax
import jax.numpy as jnp
from jax import lax
from jax.experimental import pallas as pl
from jax.experimental.pallas import tpu as pltpu
from jax.experimental.pallas import tpu_sc as plsc

_D = 64
_BATCH, _HIST = 4096, 200
_NC, _NS = 2, 16
_NW = _NC * _NS
_BPW = _BATCH // _NW
_NBUF = 4
_NSTEPS = _HIST // _NBUF


def _gather_body(table_hbm, idx_hbm, out_hbm, idx_v, rows_v, *sems):
    g_sems, o_sems = sems[:_NBUF], sems[_NBUF:]
    wid = lax.axis_index("s") * _NC + lax.axis_index("c")
    base = wid * _BPW
    pltpu.sync_copy(idx_hbm.at[:, pl.ds(base, _BPW)], idx_v)

    def gather(h, b):
        return pltpu.make_async_copy(
            table_hbm.at[idx_v.at[h]], rows_v.at[b], g_sems[b]
        )

    def writeback(h, b):
        return pltpu.make_async_copy(
            rows_v.at[b],
            out_hbm.at[pl.ds(base, _BPW), h // 8, h % 8, pl.ds(0, _D)],
            o_sems[b],
        )

    for b in range(_NBUF):
        gather(b, b).start()

    def step(s, carry):
        h0 = s * _NBUF
        for b in range(_NBUF):
            gather(h0 + b, b).wait()
            writeback(h0 + b, b).start()
        for b in range(_NBUF):
            writeback(h0 + b, b).wait()
            gather(h0 + _NBUF + b, b).start()
        return carry

    lax.fori_loop(0, _NSTEPS - 1, step, 0)

    h0 = (_NSTEPS - 1) * _NBUF
    for b in range(_NBUF):
        gather(h0 + b, b).wait()
        writeback(h0 + b, b).start()
    for b in range(_NBUF):
        writeback(h0 + b, b).wait()


@jax.jit
def kernel(x, weight):
    idx_t = jnp.transpose(x.astype(jnp.int32))
    mesh = plsc.VectorSubcoreMesh(core_axis_name="c", subcore_axis_name="s")
    out4 = pl.kernel(
        _gather_body,
        out_type=jax.ShapeDtypeStruct((_BATCH, _HIST // 8, 8, 2 * _D), jnp.float32),
        mesh=mesh,
        scratch_types=[
            pltpu.VMEM((_HIST, _BPW), jnp.int32),
            pltpu.VMEM((_NBUF, _BPW, _D), jnp.float32),
        ] + [pltpu.SemaphoreType.DMA] * (2 * _NBUF),
        compiler_params=pltpu.CompilerParams(use_tc_tiling_on_sc=False),
    )(weight, idx_t)
    return out4.reshape(_BATCH, _HIST, 2 * _D)[:, :, :_D]

# --- scband reference (transcript-rebuilt; emitter-appended) ---
"""Pipeline reference for scband-shared-embedding-738734375623 (READ-ONLY COPY).

The authoritative reference and input builder live on the scoring server;
editing this copy changes nothing except your own understanding.
"""

import jax, jax.numpy as jnp
import numpy as np

VOCAB = 1000000
D_MODEL = 64
BATCH = 4096
HIST = 200

def setup_inputs(seed: int = 0) -> dict:
    key = jax.random.key(seed)
    k_idx, k_w = jax.random.split(key)
    x = jax.random.randint(k_idx, (BATCH, HIST), 0, VOCAB, dtype=jnp.int64 if jax.config.jax_enable_x64 else jnp.int32)
    weight = jax.random.normal(k_w, (VOCAB, D_MODEL), dtype=jnp.float32)
    return {"x": x, "weight": weight}

def reference(x, weight):
    # Faithful translation of nn.Embedding: gather rows of the table by token id.
    return jnp.take(weight, x, axis=0)

if __name__ == "__main__":
    import jax
    _d = setup_inputs()
    print(jax.jit(kernel)(*tuple(_d.values())))

</pallas_src>

<mosaic_0001>
#map = affine_map<(d0, d1) -> (0, 0)>
#map1 = affine_map<(d0, d1) -> (0, 0, 0, 0)>
module attributes {stable_mosaic.version = 14 : i64} {
  func.func @_gather_body(%arg0: i32, %arg1: i32, %arg2: memref<1000000x64xf32, #tpu.memory_space<hbm>>, %arg3: memref<200x4096xi32, #tpu.memory_space<hbm>>, %arg4: memref<4096x25x8x128xf32, #tpu.memory_space<hbm>>, %arg5: memref<200x128xi32, #tpu.memory_space<vmem>>, %arg6: memref<4x128x64xf32, #tpu.memory_space<vmem>>, %arg7: memref<!tpu.dma_semaphore, #tpu.memory_space<semaphore_mem>>, %arg8: memref<!tpu.dma_semaphore, #tpu.memory_space<semaphore_mem>>, %arg9: memref<!tpu.dma_semaphore, #tpu.memory_space<semaphore_mem>>, %arg10: memref<!tpu.dma_semaphore, #tpu.memory_space<semaphore_mem>>, %arg11: memref<!tpu.dma_semaphore, #tpu.memory_space<semaphore_mem>>, %arg12: memref<!tpu.dma_semaphore, #tpu.memory_space<semaphore_mem>>, %arg13: memref<!tpu.dma_semaphore, #tpu.memory_space<semaphore_mem>>, %arg14: memref<!tpu.dma_semaphore, #tpu.memory_space<semaphore_mem>>) attributes {dimension_semantics = [#tpu.dimension_semantics<core_parallel>, #tpu.dimension_semantics<subcore_parallel>], iteration_bounds = array<i64: 2, 16>, scalar_prefetch = 0 : i64, scratch_operands = 10 : i64, tpu.core_type = #tpu.core_type<sc_vector_subcore>, window_params = [{transform_indices = #map}, {transform_indices = #map}, {transform_indices = #map1}]} {
    %mul3A = arith.constant 2 : i32
    %mul3A_0 = arith.muli %arg1, %mul3A : i32
    %add3A = arith.addi %mul3A_0, %arg0 : i32
    %mul3A_1 = arith.constant 128 : i32
    %mul3A_2 = arith.muli %add3A, %mul3A_1 : i32
    "tpu.region"() ({
      %run_scoped3A = tpu.sem_alloc : memref<!tpu.dma_semaphore, #tpu.memory_space<semaphore_mem>>
      %dma_start3A_238 = arith.constant 0 : i32
      %dma_start3A_239 = tpu.memref_slice %arg3[%dma_start3A_238, %mul3A_2] : memref<200x4096xi32, #tpu.memory_space<hbm>> -> memref<200x128xi32, #tpu.memory_space<hbm>>
      %dma_start3A_240 = arith.constant 0 : i32
      %dma_start3A_241 = tpu.memref_slice %arg3[%dma_start3A_240, %mul3A_2] : memref<200x4096xi32, #tpu.memory_space<hbm>> -> memref<200x128xi32, #tpu.memory_space<hbm>>
      tpu.enqueue_dma source(%dma_start3A_241 : memref<200x128xi32, #tpu.memory_space<hbm>>) target(%arg5 : memref<200x128xi32, #tpu.memory_space<vmem>>) target_semaphore(%run_scoped3A : memref<!tpu.dma_semaphore, #tpu.memory_space<semaphore_mem>>)
      %dma_wait3A_242 = arith.constant 0 : i32
      %dma_wait3A_243 = tpu.memref_slice %arg3[%dma_wait3A_242, %mul3A_2] : memref<200x4096xi32, #tpu.memory_space<hbm>> -> memref<200x128xi32, #tpu.memory_space<hbm>>
      %dma_wait3A_244 = arith.constant 0 : i32
      %dma_wait3A_245 = tpu.memref_slice %arg3[%dma_wait3A_244, %mul3A_2] : memref<200x4096xi32, #tpu.memory_space<hbm>> -> memref<200x128xi32, #tpu.memory_space<hbm>>
      tpu.wait_dma2 semaphore(%run_scoped3A : memref<!tpu.dma_semaphore, #tpu.memory_space<semaphore_mem>>) src(%dma_wait3A_245 : memref<200x128xi32, #tpu.memory_space<hbm>>) dst(%arg5 : memref<200x128xi32, #tpu.memory_space<vmem>>)
      tpu.yield
    }) : () -> ()
    %dma_start3A = arith.constant 0 : i32
    %dma_start3A_3 = arith.constant 0 : i32
    %dma_start3A_4 = arith.constant 0 : i32
    %dma_start3A_5 = arith.constant 0 : i32
    %dma_start3A_6 = tpu.memref_slice %arg6[%dma_start3A_3, %dma_start3A_4, %dma_start3A_5] : memref<4x128x64xf32, #tpu.memory_space<vmem>> -> memref<1x128x64xf32, #tpu.memory_space<vmem>>
    %dma_start3A_7 = tpu.memref_squeeze %dma_start3A_6 : memref<1x128x64xf32, #tpu.memory_space<vmem>> -> memref<128x64xf32, #tpu.memory_space<vmem>>
    %dma_start3A_8 = arith.constant 0 : i32
    %dma_start3A_9 = tpu.memref_slice %arg5[%dma_start3A, %dma_start3A_8] : memref<200x128xi32, #tpu.memory_space<vmem>> -> memref<1x128xi32, #tpu.memory_space<vmem>>
    %dma_start3A_10 = tpu.memref_squeeze %dma_start3A_9 : memref<1x128xi32, #tpu.memory_space<vmem>> -> memref<128xi32, #tpu.memory_space<vmem>>
    %dma_start3A_11 = arith.constant 0 : i32
    %dma_start3A_12 = arith.constant 0 : i32
    %dma_start3A_13 = tpu.memref_slice %arg2[%dma_start3A_11, %dma_start3A_12] : memref<1000000x64xf32, #tpu.memory_space<hbm>> -> memref<1000000x64xf32, #tpu.memory_space<hbm>>
    tpu.enqueue_indirect_dma source(%dma_start3A_13 : memref<1000000x64xf32, #tpu.memory_space<hbm>>) target(%dma_start3A_7 : memref<128x64xf32, #tpu.memory_space<vmem>>) offsets(%dma_start3A_10 : memref<128xi32, #tpu.memory_space<vmem>>) semaphore(%arg7 : memref<!tpu.dma_semaphore, #tpu.memory_space<semaphore_mem>>)
    %dma_start3A_14 = arith.constant 1 : i32
    %dma_start3A_15 = arith.constant 1 : i32
    %dma_start3A_16 = arith.constant 0 : i32
    %dma_start3A_17 = arith.constant 0 : i32
    %dma_start3A_18 = tpu.memref_slice %arg6[%dma_start3A_15, %dma_start3A_16, %dma_start3A_17] : memref<4x128x64xf32, #tpu.memory_space<vmem>> -> memref<1x128x64xf32, #tpu.memory_space<vmem>>
    %dma_start3A_19 = tpu.memref_squeeze %dma_start3A_18 : memref<1x128x64xf32, #tpu.memory_space<vmem>> -> memref<128x64xf32, #tpu.memory_space<vmem>>
    %dma_start3A_20 = arith.constant 0 : i32
    %dma_start3A_21 = tpu.memref_slice %arg5[%dma_start3A_14, %dma_start3A_20] : memref<200x128xi32, #tpu.memory_space<vmem>> -> memref<1x128xi32, #tpu.memory_space<vmem>>
    %dma_start3A_22 = tpu.memref_squeeze %dma_start3A_21 : memref<1x128xi32, #tpu.memory_space<vmem>> -> memref<128xi32, #tpu.memory_space<vmem>>
    %dma_start3A_23 = arith.constant 0 : i32
    %dma_start3A_24 = arith.constant 0 : i32
    %dma_start3A_25 = tpu.memref_slice %arg2[%dma_start3A_23, %dma_start3A_24] : memref<1000000x64xf32, #tpu.memory_space<hbm>> -> memref<1000000x64xf32, #tpu.memory_space<hbm>>
    tpu.enqueue_indirect_dma source(%dma_start3A_25 : memref<1000000x64xf32, #tpu.memory_space<hbm>>) target(%dma_start3A_19 : memref<128x64xf32, #tpu.memory_space<vmem>>) offsets(%dma_start3A_22 : memref<128xi32, #tpu.memory_space<vmem>>) semaphore(%arg8 : memref<!tpu.dma_semaphore, #tpu.memory_space<semaphore_mem>>)
    %dma_start3A_26 = arith.constant 2 : i32
    %dma_start3A_27 = arith.constant 2 : i32
    %dma_start3A_28 = arith.constant 0 : i32
    %dma_start3A_29 = arith.constant 0 : i32
    %dma_start3A_30 = tpu.memref_slice %arg6[%dma_start3A_27, %dma_start3A_28, %dma_start3A_29] : memref<4x128x64xf32, #tpu.memory_space<vmem>> -> memref<1x128x64xf32, #tpu.memory_space<vmem>>
    %dma_start3A_31 = tpu.memref_squeeze %dma_start3A_30 : memref<1x128x64xf32, #tpu.memory_space<vmem>> -> memref<128x64xf32, #tpu.memory_space<vmem>>
    %dma_start3A_32 = arith.constant 0 : i32
    %dma_start3A_33 = tpu.memref_slice %arg5[%dma_start3A_26, %dma_start3A_32] : memref<200x128xi32, #tpu.memory_space<vmem>> -> memref<1x128xi32, #tpu.memory_space<vmem>>
    %dma_start3A_34 = tpu.memref_squeeze %dma_start3A_33 : memref<1x128xi32, #tpu.memory_space<vmem>> -> memref<128xi32, #tpu.memory_space<vmem>>
    %dma_start3A_35 = arith.constant 0 : i32
    %dma_start3A_36 = arith.constant 0 : i32
    %dma_start3A_37 = tpu.memref_slice %arg2[%dma_start3A_35, %dma_start3A_36] : memref<1000000x64xf32, #tpu.memory_space<hbm>> -> memref<1000000x64xf32, #tpu.memory_space<hbm>>
    tpu.enqueue_indirect_dma source(%dma_start3A_37 : memref<1000000x64xf32, #tpu.memory_space<hbm>>) target(%dma_start3A_31 : memref<128x64xf32, #tpu.memory_space<vmem>>) offsets(%dma_start3A_34 : memref<128xi32, #tpu.memory_space<vmem>>) semaphore(%arg9 : memref<!tpu.dma_semaphore, #tpu.memory_space<semaphore_mem>>)
    %dma_start3A_38 = arith.constant 3 : i32
    %dma_start3A_39 = arith.constant 3 : i32
    %dma_start3A_40 = arith.constant 0 : i32
    %dma_start3A_41 = arith.constant 0 : i32
    %dma_start3A_42 = tpu.memref_slice %arg6[%dma_start3A_39, %dma_start3A_40, %dma_start3A_41] : memref<4x128x64xf32, #tpu.memory_space<vmem>> -> memref<1x128x64xf32, #tpu.memory_space<vmem>>
    %dma_start3A_43 = tpu.memref_squeeze %dma_start3A_42 : memref<1x128x64xf32, #tpu.memory_space<vmem>> -> memref<128x64xf32, #tpu.memory_space<vmem>>
    %dma_start3A_44 = arith.constant 0 : i32
    %dma_start3A_45 = tpu.memref_slice %arg5[%dma_start3A_38, %dma_start3A_44] : memref<200x128xi32, #tpu.memory_space<vmem>> -> memref<1x128xi32, #tpu.memory_space<vmem>>
    %dma_start3A_46 = tpu.memref_squeeze %dma_start3A_45 : memref<1x128xi32, #tpu.memory_space<vmem>> -> memref<128xi32, #tpu.memory_space<vmem>>
    %dma_start3A_47 = arith.constant 0 : i32
    %dma_start3A_48 = arith.constant 0 : i32
    %dma_start3A_49 = tpu.memref_slice %arg2[%dma_start3A_47, %dma_start3A_48] : memref<1000000x64xf32, #tpu.memory_space<hbm>> -> memref<1000000x64xf32, #tpu.memory_space<hbm>>
    tpu.enqueue_indirect_dma source(%dma_start3A_49 : memref<1000000x64xf32, #tpu.memory_space<hbm>>) target(%dma_start3A_43 : memref<128x64xf32, #tpu.memory_space<vmem>>) offsets(%dma_start3A_46 : memref<128xi32, #tpu.memory_space<vmem>>) semaphore(%arg10 : memref<!tpu.dma_semaphore, #tpu.memory_space<semaphore_mem>>)
    %scan3A = arith.constant 0 : i32
    %scan3A_50 = arith.constant 0 : i32
    %scan3A_51 = arith.constant 49 : i32
    %scan3A_52 = arith.addi %scan3A_50, %scan3A_51 : i32
    %scan3A_53 = arith.constant 1 : i32
    scf.for %scan3A_238 = %scan3A_50 to %scan3A_52 step %scan3A_53  : i32 {
      %mul3A_239 = arith.constant 4 : i32
      %mul3A_240 = arith.muli %scan3A_238, %mul3A_239 : i32
      %add3A_241 = arith.constant 0 : i32
      %add3A_242 = arith.addi %mul3A_240, %add3A_241 : i32
      %dma_wait3A_243 = arith.constant 0 : i32
      %dma_wait3A_244 = arith.constant 0 : i32
      %dma_wait3A_245 = arith.constant 0 : i32
      %dma_wait3A_246 = tpu.memref_slice %arg6[%dma_wait3A_243, %dma_wait3A_244, %dma_wait3A_245] : memref<4x128x64xf32, #tpu.memory_space<vmem>> -> memref<1x128x64xf32, #tpu.memory_space<vmem>>
      %dma_wait3A_247 = tpu.memref_squeeze %dma_wait3A_246 : memref<1x128x64xf32, #tpu.memory_space<vmem>> -> memref<128x64xf32, #tpu.memory_space<vmem>>
      %dma_wait3A_248 = arith.constant 0 : i32
      %dma_wait3A_249 = tpu.memref_slice %arg5[%add3A_242, %dma_wait3A_248] : memref<200x128xi32, #tpu.memory_space<vmem>> -> memref<1x128xi32, #tpu.memory_space<vmem>>
      %dma_wait3A_250 = tpu.memref_squeeze %dma_wait3A_249 : memref<1x128xi32, #tpu.memory_space<vmem>> -> memref<128xi32, #tpu.memory_space<vmem>>
      %dma_wait3A_251 = arith.constant 0 : i32
      %dma_wait3A_252 = arith.constant 0 : i32
      %dma_wait3A_253 = tpu.memref_slice %arg2[%dma_wait3A_251, %dma_wait3A_252] : memref<1000000x64xf32, #tpu.memory_space<hbm>> -> memref<1000000x64xf32, #tpu.memory_space<hbm>>
      tpu.wait_indirect_dma semaphore(%arg7 : memref<!tpu.dma_semaphore, #tpu.memory_space<semaphore_mem>>) src(%dma_wait3A_253 : memref<1000000x64xf32, #tpu.memory_space<hbm>>) dst(%dma_wait3A_247 : memref<128x64xf32, #tpu.memory_space<vmem>>)
      %add3A_254 = arith.constant 0 : i32
      %add3A_255 = arith.addi %mul3A_240, %add3A_254 : i32
      %jit3A = arith.constant 8 : i32
      %div3A = arith.divsi %add3A_255, %jit3A : i32
      %sign3A = arith.constant 0 : i32
      %sign3A_256 = arith.cmpi sgt, %add3A_255, %sign3A : i32
      %sign3A_257 = arith.extui %sign3A_256 : i1 to i32
      %sign3A_258 = arith.constant 0 : i32
      %sign3A_259 = arith.cmpi slt, %add3A_255, %sign3A_258 : i32
      %sign3A_260 = arith.extui %sign3A_259 : i1 to i32
      %sign3A_261 = arith.subi %sign3A_257, %sign3A_260 : i32
      %sign3A_262 = arith.constant 0 : i32
      %sign3A_263 = arith.cmpi sgt, %jit3A, %sign3A_262 : i32
      %sign3A_264 = arith.extui %sign3A_263 : i1 to i32
      %sign3A_265 = arith.constant 0 : i32
      %sign3A_266 = arith.cmpi slt, %jit3A, %sign3A_265 : i32
      %sign3A_267 = arith.extui %sign3A_266 : i1 to i32
      %sign3A_268 = arith.subi %sign3A_264, %sign3A_267 : i32
      %ne3A = arith.cmpi ne, %sign3A_261, %sign3A_268 : i32
      %rem3A = arith.remsi %add3A_255, %jit3A : i32
      %ne3A_269 = arith.constant 0 : i32
      %ne3A_270 = arith.cmpi ne, %rem3A, %ne3A_269 : i32
      %and3A = arith.andi %ne3A, %ne3A_270 : i1
      %sub3A = arith.constant 1 : i32
      %sub3A_271 = arith.subi %div3A, %sub3A : i32
      %select_n3A = arith.select %and3A, %sub3A_271, %div3A : i32
      %jit3A_272 = arith.constant 8 : i32
      %eq3A = arith.constant 0 : i32
      %eq3A_273 = arith.cmpi eq, %jit3A_272, %eq3A : i32
      %jit3A_274 = arith.constant 1 : i32
      %select_n3A_275 = arith.select %eq3A_273, %jit3A_274, %jit3A_272 : i32
      %rem3A_276 = arith.remsi %add3A_255, %select_n3A_275 : i32
      %ne3A_277 = arith.constant 0 : i32
      %ne3A_278 = arith.cmpi ne, %rem3A_276, %ne3A_277 : i32
      %lt3A = arith.constant 0 : i32
      %lt3A_279 = arith.cmpi slt, %rem3A_276, %lt3A : i32
      %lt3A_280 = arith.constant 0 : i32
      %lt3A_281 = arith.cmpi slt, %select_n3A_275, %lt3A_280 : i32
      %ne3A_282 = arith.xori %lt3A_279, %lt3A_281 : i1
      %and3A_283 = arith.andi %ne3A_282, %ne3A_278 : i1
      %add3A_284 = arith.addi %rem3A_276, %select_n3A_275 : i32
      %select_n3A_285 = arith.select %and3A_283, %add3A_284, %rem3A_276 : i32
      %dma_start3A_286 = arith.constant 0 : i32
      %dma_start3A_287 = arith.constant 0 : i32
      %dma_start3A_288 = arith.constant 0 : i32
      %dma_start3A_289 = tpu.memref_slice %arg6[%dma_start3A_286, %dma_start3A_287, %dma_start3A_288] : memref<4x128x64xf32, #tpu.memory_space<vmem>> -> memref<1x128x64xf32, #tpu.memory_space<vmem>>
      %dma_start3A_290 = tpu.memref_squeeze %dma_start3A_289 : memref<1x128x64xf32, #tpu.memory_space<vmem>> -> memref<128x64xf32, #tpu.memory_space<vmem>>
      %dma_start3A_291 = arith.constant 0 : i32
      %dma_start3A_292 = tpu.memref_slice %arg4[%mul3A_2, %select_n3A, %select_n3A_285, %dma_start3A_291] : memref<4096x25x8x128xf32, #tpu.memory_space<hbm>> -> memref<128x1x1x64xf32, #tpu.memory_space<hbm>>
      %dma_start3A_293 = tpu.memref_squeeze %dma_start3A_292 : memref<128x1x1x64xf32, #tpu.memory_space<hbm>> -> memref<128x64xf32, #tpu.memory_space<hbm>>
      %dma_start3A_294 = arith.constant 0 : i32
      %dma_start3A_295 = tpu.memref_slice %arg4[%mul3A_2, %select_n3A, %select_n3A_285, %dma_start3A_294] : memref<4096x25x8x128xf32, #tpu.memory_space<hbm>> -> memref<128x1x1x64xf32, #tpu.memory_space<hbm>>
      %dma_start3A_296 = tpu.memref_squeeze %dma_start3A_295 : memref<128x1x1x64xf32, #tpu.memory_space<hbm>> -> memref<128x64xf32, #tpu.memory_space<hbm>>
      %dma_start3A_297 = arith.constant 0 : i32
      %dma_start3A_298 = arith.constant 0 : i32
      %dma_start3A_299 = tpu.memref_slice %arg6[%dma_start3A_286, %dma_start3A_297, %dma_start3A_298] : memref<4x128x64xf32, #tpu.memory_space<vmem>> -> memref<1x128x64xf32, #tpu.memory_space<vmem>>
      %dma_start3A_300 = tpu.memref_squeeze %dma_start3A_299 : memref<1x128x64xf32, #tpu.memory_space<vmem>> -> memref<128x64xf32, #tpu.memory_space<vmem>>
      tpu.enqueue_dma source(%dma_start3A_300 : memref<128x64xf32, #tpu.memory_space<vmem>>) target(%dma_start3A_296 : memref<128x64xf32, #tpu.memory_space<hbm>>) target_semaphore(%arg11 : memref<!tpu.dma_semaphore, #tpu.memory_space<semaphore_mem>>)
      %add3A_301 = arith.constant 1 : i32
      %add3A_302 = arith.addi %mul3A_240, %add3A_301 : i32
      %dma_wait3A_303 = arith.constant 1 : i32
      %dma_wait3A_304 = arith.constant 0 : i32
      %dma_wait3A_305 = arith.constant 0 : i32
      %dma_wait3A_306 = tpu.memref_slice %arg6[%dma_wait3A_303, %dma_wait3A_304, %dma_wait3A_305] : memref<4x128x64xf32, #tpu.memory_space<vmem>> -> memref<1x128x64xf32, #tpu.memory_space<vmem>>
      %dma_wait3A_307 = tpu.memref_squeeze %dma_wait3A_306 : memref<1x128x64xf32, #tpu.memory_space<vmem>> -> memref<128x64xf32, #tpu.memory_space<vmem>>
      %dma_wait3A_308 = arith.constant 0 : i32
      %dma_wait3A_309 = tpu.memref_slice %arg5[%add3A_302, %dma_wait3A_308] : memref<200x128xi32, #tpu.memory_space<vmem>> -> memref<1x128xi32, #tpu.memory_space<vmem>>
      %dma_wait3A_310 = tpu.memref_squeeze %dma_wait3A_309 : memref<1x128xi32, #tpu.memory_space<vmem>> -> memref<128xi32, #tpu.memory_space<vmem>>
      %dma_wait3A_311 = arith.constant 0 : i32
      %dma_wait3A_312 = arith.constant 0 : i32
      %dma_wait3A_313 = tpu.memref_slice %arg2[%dma_wait3A_311, %dma_wait3A_312] : memref<1000000x64xf32, #tpu.memory_space<hbm>> -> memref<1000000x64xf32, #tpu.memory_space<hbm>>
      tpu.wait_indirect_dma semaphore(%arg8 : memref<!tpu.dma_semaphore, #tpu.memory_space<semaphore_mem>>) src(%dma_wait3A_313 : memref<1000000x64xf32, #tpu.memory_space<hbm>>) dst(%dma_wait3A_307 : memref<128x64xf32, #tpu.memory_space<vmem>>)
      %add3A_314 = arith.constant 1 : i32
      %add3A_315 = arith.addi %mul3A_240, %add3A_314 : i32
      %jit3A_316 = arith.constant 8 : i32
      %div3A_317 = arith.divsi %add3A_315, %jit3A_316 : i32
      %sign3A_318 = arith.constant 0 : i32
      %sign3A_319 = arith.cmpi sgt, %add3A_315, %sign3A_318 : i32
      %sign3A_320 = arith.extui %sign3A_319 : i1 to i32
      %sign3A_321 = arith.constant 0 : i32
      %sign3A_322 = arith.cmpi slt, %add3A_315, %sign3A_321 : i32
      %sign3A_323 = arith.extui %sign3A_322 : i1 to i32
      %sign3A_324 = arith.subi %sign3A_320, %sign3A_323 : i32
      %sign3A_325 = arith.constant 0 : i32
      %sign3A_326 = arith.cmpi sgt, %jit3A_316, %sign3A_325 : i32
      %sign3A_327 = arith.extui %sign3A_326 : i1 to i32
      %sign3A_328 = arith.constant 0 : i32
      %sign3A_329 = arith.cmpi slt, %jit3A_316, %sign3A_328 : i32
      %sign3A_330 = arith.extui %sign3A_329 : i1 to i32
      %sign3A_331 = arith.subi %sign3A_327, %sign3A_330 : i32
      %ne3A_332 = arith.cmpi ne, %sign3A_324, %sign3A_331 : i32
      %rem3A_333 = arith.remsi %add3A_315, %jit3A_316 : i32
      %ne3A_334 = arith.constant 0 : i32
      %ne3A_335 = arith.cmpi ne, %rem3A_333, %ne3A_334 : i32
      %and3A_336 = arith.andi %ne3A_332, %ne3A_335 : i1
      %sub3A_337 = arith.constant 1 : i32
      %sub3A_338 = arith.subi %div3A_317, %sub3A_337 : i32
      %select_n3A_339 = arith.select %and3A_336, %sub3A_338, %div3A_317 : i32
      %jit3A_340 = arith.constant 8 : i32
      %eq3A_341 = arith.constant 0 : i32
      %eq3A_342 = arith.cmpi eq, %jit3A_340, %eq3A_341 : i32
      %jit3A_343 = arith.constant 1 : i32
      %select_n3A_344 = arith.select %eq3A_342, %jit3A_343, %jit3A_340 : i32
      %rem3A_345 = arith.remsi %add3A_315, %select_n3A_344 : i32
      %ne3A_346 = arith.constant 0 : i32
      %ne3A_347 = arith.cmpi ne, %rem3A_345, %ne3A_346 : i32
      %lt3A_348 = arith.constant 0 : i32
      %lt3A_349 = arith.cmpi slt, %rem3A_345, %lt3A_348 : i32
      %lt3A_350 = arith.constant 0 : i32
      %lt3A_351 = arith.cmpi slt, %select_n3A_344, %lt3A_350 : i32
      %ne3A_352 = arith.xori %lt3A_349, %lt3A_351 : i1
      %and3A_353 = arith.andi %ne3A_352, %ne3A_347 : i1
      %add3A_354 = arith.addi %rem3A_345, %select_n3A_344 : i32
      %select_n3A_355 = arith.select %and3A_353, %add3A_354, %rem3A_345 : i32
      %dma_start3A_356 = arith.constant 1 : i32
      %dma_start3A_357 = arith.constant 0 : i32
      %dma_start3A_358 = arith.constant 0 : i32
      %dma_start3A_359 = tpu.memref_slice %arg6[%dma_start3A_356, %dma_start3A_357, %dma_start3A_358] : memref<4x128x64xf32, #tpu.memory_space<vmem>> -> memref<1x128x64xf32, #tpu.memory_space<vmem>>
      %dma_start3A_360 = tpu.memref_squeeze %dma_start3A_359 : memref<1x128x64xf32, #tpu.memory_space<vmem>> -> memref<128x64xf32, #tpu.memory_space<vmem>>
      %dma_start3A_361 = arith.constant 0 : i32
      %dma_start3A_362 = tpu.memref_slice %arg4[%mul3A_2, %select_n3A_339, %select_n3A_355, %dma_start3A_361] : memref<4096x25x8x128xf32, #tpu.memory_space<hbm>> -> memref<128x1x1x64xf32, #tpu.memory_space<hbm>>
      %dma_start3A_363 = tpu.memref_squeeze %dma_start3A_362 : memref<128x1x1x64xf32, #tpu.memory_space<hbm>> -> memref<128x64xf32, #tpu.memory_space<hbm>>
      %dma_start3A_364 = arith.constant 0 : i32
      %dma_start3A_365 = tpu.memref_slice %arg4[%mul3A_2, %select_n3A_339, %select_n3A_355, %dma_start3A_364] : memref<4096x25x8x128xf32, #tpu.memory_space<hbm>> -> memref<128x1x1x64xf32, #tpu.memory_space<hbm>>
      %dma_start3A_366 = tpu.memref_squeeze %dma_start3A_365 : memref<128x1x1x64xf32, #tpu.memory_space<hbm>> -> memref<128x64xf32, #tpu.memory_space<hbm>>
      %dma_start3A_367 = arith.constant 0 : i32
      %dma_start3A_368 = arith.constant 0 : i32
      %dma_start3A_369 = tpu.memref_slice %arg6[%dma_start3A_356, %dma_start3A_367, %dma_start3A_368] : memref<4x128x64xf32, #tpu.memory_space<vmem>> -> memref<1x128x64xf32, #tpu.memory_space<vmem>>
      %dma_start3A_370 = tpu.memref_squeeze %dma_start3A_369 : memref<1x128x64xf32, #tpu.memory_space<vmem>> -> memref<128x64xf32, #tpu.memory_space<vmem>>
      tpu.enqueue_dma source(%dma_start3A_370 : memref<128x64xf32, #tpu.memory_space<vmem>>) target(%dma_start3A_366 : memref<128x64xf32, #tpu.memory_space<hbm>>) target_semaphore(%arg12 : memref<!tpu.dma_semaphore, #tpu.memory_space<semaphore_mem>>)
      %add3A_371 = arith.constant 2 : i32
      %add3A_372 = arith.addi %mul3A_240, %add3A_371 : i32
      %dma_wait3A_373 = arith.constant 2 : i32
      %dma_wait3A_374 = arith.constant 0 : i32
      %dma_wait3A_375 = arith.constant 0 : i32
      %dma_wait3A_376 = tpu.memref_slice %arg6[%dma_wait3A_373, %dma_wait3A_374, %dma_wait3A_375] : memref<4x128x64xf32, #tpu.memory_space<vmem>> -> memref<1x128x64xf32, #tpu.memory_space<vmem>>
      %dma_wait3A_377 = tpu.memref_squeeze %dma_wait3A_376 : memref<1x128x64xf32, #tpu.memory_space<vmem>> -> memref<128x64xf32, #tpu.memory_space<vmem>>
      %dma_wait3A_378 = arith.constant 0 : i32
      %dma_wait3A_379 = tpu.memref_slice %arg5[%add3A_372, %dma_wait3A_378] : memref<200x128xi32, #tpu.memory_space<vmem>> -> memref<1x128xi32, #tpu.memory_space<vmem>>
      %dma_wait3A_380 = tpu.memref_squeeze %dma_wait3A_379 : memref<1x128xi32, #tpu.memory_space<vmem>> -> memref<128xi32, #tpu.memory_space<vmem>>
      %dma_wait3A_381 = arith.constant 0 : i32
      %dma_wait3A_382 = arith.constant 0 : i32
      %dma_wait3A_383 = tpu.memref_slice %arg2[%dma_wait3A_381, %dma_wait3A_382] : memref<1000000x64xf32, #tpu.memory_space<hbm>> -> memref<1000000x64xf32, #tpu.memory_space<hbm>>
      tpu.wait_indirect_dma semaphore(%arg9 : memref<!tpu.dma_semaphore, #tpu.memory_space<semaphore_mem>>) src(%dma_wait3A_383 : memref<1000000x64xf32, #tpu.memory_space<hbm>>) dst(%dma_wait3A_377 : memref<128x64xf32, #tpu.memory_space<vmem>>)
      %add3A_384 = arith.constant 2 : i32
      %add3A_385 = arith.addi %mul3A_240, %add3A_384 : i32
      %jit3A_386 = arith.constant 8 : i32
      %div3A_387 = arith.divsi %add3A_385, %jit3A_386 : i32
      %sign3A_388 = arith.constant 0 : i32
      %sign3A_389 = arith.cmpi sgt, %add3A_385, %sign3A_388 : i32
      %sign3A_390 = arith.extui %sign3A_389 : i1 to i32
      %sign3A_391 = arith.constant 0 : i32
      %sign3A_392 = arith.cmpi slt, %add3A_385, %sign3A_391 : i32
      %sign3A_393 = arith.extui %sign3A_392 : i1 to i32
      %sign3A_394 = arith.subi %sign3A_390, %sign3A_393 : i32
      %sign3A_395 = arith.constant 0 : i32
      %sign3A_396 = arith.cmpi sgt, %jit3A_386, %sign3A_395 : i32
      %sign3A_397 = arith.extui %sign3A_396 : i1 to i32
      %sign3A_398 = arith.constant 0 : i32
      %sign3A_399 = arith.cmpi slt, %jit3A_386, %sign3A_398 : i32
      %sign3A_400 = arith.extui %sign3A_399 : i1 to i32
      %sign3A_401 = arith.subi %sign3A_397, %sign3A_400 : i32
      %ne3A_402 = arith.cmpi ne, %sign3A_394, %sign3A_401 : i32
      %rem3A_403 = arith.remsi %add3A_385, %jit3A_386 : i32
      %ne3A_404 = arith.constant 0 : i32
      %ne3A_405 = arith.cmpi ne, %rem3A_403, %ne3A_404 : i32
      %and3A_406 = arith.andi %ne3A_402, %ne3A_405 : i1
      %sub3A_407 = arith.constant 1 : i32
      %sub3A_408 = arith.subi %div3A_387, %sub3A_407 : i32
      %select_n3A_409 = arith.select %and3A_406, %sub3A_408, %div3A_387 : i32
      %jit3A_410 = arith.constant 8 : i32
      %eq3A_411 = arith.constant 0 : i32
      %eq3A_412 = arith.cmpi eq, %jit3A_410, %eq3A_411 : i32
      %jit3A_413 = arith.constant 1 : i32
      %select_n3A_414 = arith.select %eq3A_412, %jit3A_413, %jit3A_410 : i32
      %rem3A_415 = arith.remsi %add3A_385, %select_n3A_414 : i32
      %ne3A_416 = arith.constant 0 : i32
      %ne3A_417 = arith.cmpi ne, %rem3A_415, %ne3A_416 : i32
      %lt3A_418 = arith.constant 0 : i32
      %lt3A_419 = arith.cmpi slt, %rem3A_415, %lt3A_418 : i32
      %lt3A_420 = arith.constant 0 : i32
      %lt3A_421 = arith.cmpi slt, %select_n3A_414, %lt3A_420 : i32
      %ne3A_422 = arith.xori %lt3A_419, %lt3A_421 : i1
      %and3A_423 = arith.andi %ne3A_422, %ne3A_417 : i1
      %add3A_424 = arith.addi %rem3A_415, %select_n3A_414 : i32
      %select_n3A_425 = arith.select %and3A_423, %add3A_424, %rem3A_415 : i32
      %dma_start3A_426 = arith.constant 2 : i32
      %dma_start3A_427 = arith.constant 0 : i32
      %dma_start3A_428 = arith.constant 0 : i32
      %dma_start3A_429 = tpu.memref_slice %arg6[%dma_start3A_426, %dma_start3A_427, %dma_start3A_428] : memref<4x128x64xf32, #tpu.memory_space<vmem>> -> memref<1x128x64xf32, #tpu.memory_space<vmem>>
      %dma_start3A_430 = tpu.memref_squeeze %dma_start3A_429 : memref<1x128x64xf32, #tpu.memory_space<vmem>> -> memref<128x64xf32, #tpu.memory_space<vmem>>
      %dma_start3A_431 = arith.constant 0 : i32
      %dma_start3A_432 = tpu.memref_slice %arg4[%mul3A_2, %select_n3A_409, %select_n3A_425, %dma_start3A_431] : memref<4096x25x8x128xf32, #tpu.memory_space<hbm>> -> memref<128x1x1x64xf32, #tpu.memory_space<hbm>>
      %dma_start3A_433 = tpu.memref_squeeze %dma_start3A_432 : memref<128x1x1x64xf32, #tpu.memory_space<hbm>> -> memref<128x64xf32, #tpu.memory_space<hbm>>
      %dma_start3A_434 = arith.constant 0 : i32
      %dma_start3A_435 = tpu.memref_slice %arg4[%mul3A_2, %select_n3A_409, %select_n3A_425, %dma_start3A_434] : memref<4096x25x8x128xf32, #tpu.memory_space<hbm>> -> memref<128x1x1x64xf32, #tpu.memory_space<hbm>>
      %dma_start3A_436 = tpu.memref_squeeze %dma_start3A_435 : memref<128x1x1x64xf32, #tpu.memory_space<hbm>> -> memref<128x64xf32, #tpu.memory_space<hbm>>
      %dma_start3A_437 = arith.constant 0 : i32
      %dma_start3A_438 = arith.constant 0 : i32
      %dma_start3A_439 = tpu.memref_slice %arg6[%dma_start3A_426, %dma_start3A_437, %dma_start3A_438] : memref<4x128x64xf32, #tpu.memory_space<vmem>> -> memref<1x128x64xf32, #tpu.memory_space<vmem>>
      %dma_start3A_440 = tpu.memref_squeeze %dma_start3A_439 : memref<1x128x64xf32, #tpu.memory_space<vmem>> -> memref<128x64xf32, #tpu.memory_space<vmem>>
      tpu.enqueue_dma source(%dma_start3A_440 : memref<128x64xf32, #tpu.memory_space<vmem>>) target(%dma_start3A_436 : memref<128x64xf32, #tpu.memory_space<hbm>>) target_semaphore(%arg13 : memref<!tpu.dma_semaphore, #tpu.memory_space<semaphore_mem>>)
      %add3A_441 = arith.constant 3 : i32
      %add3A_442 = arith.addi %mul3A_240, %add3A_441 : i32
      %dma_wait3A_443 = arith.constant 3 : i32
      %dma_wait3A_444 = arith.constant 0 : i32
      %dma_wait3A_445 = arith.constant 0 : i32
      %dma_wait3A_446 = tpu.memref_slice %arg6[%dma_wait3A_443, %dma_wait3A_444, %dma_wait3A_445] : memref<4x128x64xf32, #tpu.memory_space<vmem>> -> memref<1x128x64xf32, #tpu.memory_space<vmem>>
      %dma_wait3A_447 = tpu.memref_squeeze %dma_wait3A_446 : memref<1x128x64xf32, #tpu.memory_space<vmem>> -> memref<128x64xf32, #tpu.memory_space<vmem>>
      %dma_wait3A_448 = arith.constant 0 : i32
      %dma_wait3A_449 = tpu.memref_slice %arg5[%add3A_442, %dma_wait3A_448] : memref<200x128xi32, #tpu.memory_space<vmem>> -> memref<1x128xi32, #tpu.memory_space<vmem>>
      %dma_wait3A_450 = tpu.memref_squeeze %dma_wait3A_449 : memref<1x128xi32, #tpu.memory_space<vmem>> -> memref<128xi32, #tpu.memory_space<vmem>>
      %dma_wait3A_451 = arith.constant 0 : i32
      %dma_wait3A_452 = arith.constant 0 : i32
      %dma_wait3A_453 = tpu.memref_slice %arg2[%dma_wait3A_451, %dma_wait3A_452] : memref<1000000x64xf32, #tpu.memory_space<hbm>> -> memref<1000000x64xf32, #tpu.memory_space<hbm>>
      tpu.wait_indirect_dma semaphore(%arg10 : memref<!tpu.dma_semaphore, #tpu.memory_space<semaphore_mem>>) src(%dma_wait3A_453 : memref<1000000x64xf32, #tpu.memory_space<hbm>>) dst(%dma_wait3A_447 : memref<128x64xf32, #tpu.memory_space<vmem>>)
      %add3A_454 = arith.constant 3 : i32
      %add3A_455 = arith.addi %mul3A_240, %add3A_454 : i32
      %jit3A_456 = arith.constant 8 : i32
      %div3A_457 = arith.divsi %add3A_455, %jit3A_456 : i32
      %sign3A_458 = arith.constant 0 : i32
      %sign3A_459 = arith.cmpi sgt, %add3A_455, %sign3A_458 : i32
      %sign3A_460 = arith.extui %sign3A_459 : i1 to i32
      %sign3A_461 = arith.constant 0 : i32
      %sign3A_462 = arith.cmpi slt, %add3A_455, %sign3A_461 : i32
      %sign3A_463 = arith.extui %sign3A_462 : i1 to i32
      %sign3A_464 = arith.subi %sign3A_460, %sign3A_463 : i32
      %sign3A_465 = arith.constant 0 : i32
      %sign3A_466 = arith.cmpi sgt, %jit3A_456, %sign3A_465 : i32
      %sign3A_467 = arith.extui %sign3A_466 : i1 to i32
      %sign3A_468 = arith.constant 0 : i32
      %sign3A_469 = arith.cmpi slt, %jit3A_456, %sign3A_468 : i32
      %sign3A_470 = arith.extui %sign3A_469 : i1 to i32
      %sign3A_471 = arith.subi %sign3A_467, %sign3A_470 : i32
      %ne3A_472 = arith.cmpi ne, %sign3A_464, %sign3A_471 : i32
      %rem3A_473 = arith.remsi %add3A_455, %jit3A_456 : i32
      %ne3A_474 = arith.constant 0 : i32
      %ne3A_475 = arith.cmpi ne, %rem3A_473, %ne3A_474 : i32
      %and3A_476 = arith.andi %ne3A_472, %ne3A_475 : i1
      %sub3A_477 = arith.constant 1 : i32
      %sub3A_478 = arith.subi %div3A_457, %sub3A_477 : i32
      %select_n3A_479 = arith.select %and3A_476, %sub3A_478, %div3A_457 : i32
      %jit3A_480 = arith.constant 8 : i32
      %eq3A_481 = arith.constant 0 : i32
      %eq3A_482 = arith.cmpi eq, %jit3A_480, %eq3A_481 : i32
      %jit3A_483 = arith.constant 1 : i32
      %select_n3A_484 = arith.select %eq3A_482, %jit3A_483, %jit3A_480 : i32
      %rem3A_485 = arith.remsi %add3A_455, %select_n3A_484 : i32
      %ne3A_486 = arith.constant 0 : i32
      %ne3A_487 = arith.cmpi ne, %rem3A_485, %ne3A_486 : i32
      %lt3A_488 = arith.constant 0 : i32
      %lt3A_489 = arith.cmpi slt, %rem3A_485, %lt3A_488 : i32
      %lt3A_490 = arith.constant 0 : i32
      %lt3A_491 = arith.cmpi slt, %select_n3A_484, %lt3A_490 : i32
      %ne3A_492 = arith.xori %lt3A_489, %lt3A_491 : i1
      %and3A_493 = arith.andi %ne3A_492, %ne3A_487 : i1
      %add3A_494 = arith.addi %rem3A_485, %select_n3A_484 : i32
      %select_n3A_495 = arith.select %and3A_493, %add3A_494, %rem3A_485 : i32
      %dma_start3A_496 = arith.constant 3 : i32
      %dma_start3A_497 = arith.constant 0 : i32
      %dma_start3A_498 = arith.constant 0 : i32
      %dma_start3A_499 = tpu.memref_slice %arg6[%dma_start3A_496, %dma_start3A_497, %dma_start3A_498] : memref<4x128x64xf32, #tpu.memory_space<vmem>> -> memref<1x128x64xf32, #tpu.memory_space<vmem>>
      %dma_start3A_500 = tpu.memref_squeeze %dma_start3A_499 : memref<1x128x64xf32, #tpu.memory_space<vmem>> -> memref<128x64xf32, #tpu.memory_space<vmem>>
      %dma_start3A_501 = arith.constant 0 : i32
      %dma_start3A_502 = tpu.memref_slice %arg4[%mul3A_2, %select_n3A_479, %select_n3A_495, %dma_start3A_501] : memref<4096x25x8x128xf32, #tpu.memory_space<hbm>> -> memref<128x1x1x64xf32, #tpu.memory_space<hbm>>
      %dma_start3A_503 = tpu.memref_squeeze %dma_start3A_502 : memref<128x1x1x64xf32, #tpu.memory_space<hbm>> -> memref<128x64xf32, #tpu.memory_space<hbm>>
      %dma_start3A_504 = arith.constant 0 : i32
      %dma_start3A_505 = tpu.memref_slice %arg4[%mul3A_2, %select_n3A_479, %select_n3A_495, %dma_start3A_504] : memref<4096x25x8x128xf32, #tpu.memory_space<hbm>> -> memref<128x1x1x64xf32, #tpu.memory_space<hbm>>
      %dma_start3A_506 = tpu.memref_squeeze %dma_start3A_505 : memref<128x1x1x64xf32, #tpu.memory_space<hbm>> -> memref<128x64xf32, #tpu.memory_space<hbm>>
      %dma_start3A_507 = arith.constant 0 : i32
      %dma_start3A_508 = arith.constant 0 : i32
      %dma_start3A_509 = tpu.memref_slice %arg6[%dma_start3A_496, %dma_start3A_507, %dma_start3A_508] : memref<4x128x64xf32, #tpu.memory_space<vmem>> -> memref<1x128x64xf32, #tpu.memory_space<vmem>>
      %dma_start3A_510 = tpu.memref_squeeze %dma_start3A_509 : memref<1x128x64xf32, #tpu.memory_space<vmem>> -> memref<128x64xf32, #tpu.memory_space<vmem>>
      tpu.enqueue_dma source(%dma_start3A_510 : memref<128x64xf32, #tpu.memory_space<vmem>>) target(%dma_start3A_506 : memref<128x64xf32, #tpu.memory_space<hbm>>) target_semaphore(%arg14 : memref<!tpu.dma_semaphore, #tpu.memory_space<semaphore_mem>>)
      %add3A_511 = arith.constant 0 : i32
      %add3A_512 = arith.addi %mul3A_240, %add3A_511 : i32
      %jit3A_513 = arith.constant 8 : i32
      %div3A_514 = arith.divsi %add3A_512, %jit3A_513 : i32
      %sign3A_515 = arith.constant 0 : i32
      %sign3A_516 = arith.cmpi sgt, %add3A_512, %sign3A_515 : i32
      %sign3A_517 = arith.extui %sign3A_516 : i1 to i32
      %sign3A_518 = arith.constant 0 : i32
      %sign3A_519 = arith.cmpi slt, %add3A_512, %sign3A_518 : i32
      %sign3A_520 = arith.extui %sign3A_519 : i1 to i32
      %sign3A_521 = arith.subi %sign3A_517, %sign3A_520 : i32
      %sign3A_522 = arith.constant 0 : i32
      %sign3A_523 = arith.cmpi sgt, %jit3A_513, %sign3A_522 : i32
      %sign3A_524 = arith.extui %sign3A_523 : i1 to i32
      %sign3A_525 = arith.constant 0 : i32
      %sign3A_526 = arith.cmpi slt, %jit3A_513, %sign3A_525 : i32
      %sign3A_527 = arith.extui %sign3A_526 : i1 to i32
      %sign3A_528 = arith.subi %sign3A_524, %sign3A_527 : i32
      %ne3A_529 = arith.cmpi ne, %sign3A_521, %sign3A_528 : i32
      %rem3A_530 = arith.remsi %add3A_512, %jit3A_513 : i32
      %ne3A_531 = arith.constant 0 : i32
      %ne3A_532 = arith.cmpi ne, %rem3A_530, %ne3A_531 : i32
      %and3A_533 = arith.andi %ne3A_529, %ne3A_532 : i1
      %sub3A_534 = arith.constant 1 : i32
      %sub3A_535 = arith.subi %div3A_514, %sub3A_534 : i32
      %select_n3A_536 = arith.select %and3A_533, %sub3A_535, %div3A_514 : i32
      %jit3A_537 = arith.constant 8 : i32
      %eq3A_538 = arith.constant 0 : i32
      %eq3A_539 = arith.cmpi eq, %jit3A_537, %eq3A_538 : i32
      %jit3A_540 = arith.constant 1 : i32
      %select_n3A_541 = arith.select %eq3A_539, %jit3A_540, %jit3A_537 : i32
      %rem3A_542 = arith.remsi %add3A_512, %select_n3A_541 : i32
      %ne3A_543 = arith.constant 0 : i32
      %ne3A_544 = arith.cmpi ne, %rem3A_542, %ne3A_543 : i32
      %lt3A_545 = arith.constant 0 : i32
      %lt3A_546 = arith.cmpi slt, %rem3A_542, %lt3A_545 : i32
      %lt3A_547 = arith.constant 0 : i32
      %lt3A_548 = arith.cmpi slt, %select_n3A_541, %lt3A_547 : i32
      %ne3A_549 = arith.xori %lt3A_546, %lt3A_548 : i1
      %and3A_550 = arith.andi %ne3A_549, %ne3A_544 : i1
      %add3A_551 = arith.addi %rem3A_542, %select_n3A_541 : i32
      %select_n3A_552 = arith.select %and3A_550, %add3A_551, %rem3A_542 : i32
      %dma_wait3A_553 = arith.constant 0 : i32
      %dma_wait3A_554 = arith.constant 0 : i32
      %dma_wait3A_555 = arith.constant 0 : i32
      %dma_wait3A_556 = tpu.memref_slice %arg6[%dma_wait3A_553, %dma_wait3A_554, %dma_wait3A_555] : memref<4x128x64xf32, #tpu.memory_space<vmem>> -> memref<1x128x64xf32, #tpu.memory_space<vmem>>
      %dma_wait3A_557 = tpu.memref_squeeze %dma_wait3A_556 : memref<1x128x64xf32, #tpu.memory_space<vmem>> -> memref<128x64xf32, #tpu.memory_space<vmem>>
      %dma_wait3A_558 = arith.constant 0 : i32
      %dma_wait3A_559 = tpu.memref_slice %arg4[%mul3A_2, %select_n3A_536, %select_n3A_552, %dma_wait3A_558] : memref<4096x25x8x128xf32, #tpu.memory_space<hbm>> -> memref<128x1x1x64xf32, #tpu.memory_space<hbm>>
      %dma_wait3A_560 = tpu.memref_squeeze %dma_wait3A_559 : memref<128x1x1x64xf32, #tpu.memory_space<hbm>> -> memref<128x64xf32, #tpu.memory_space<hbm>>
      %dma_wait3A_561 = arith.constant 0 : i32
      %dma_wait3A_562 = tpu.memref_slice %arg4[%mul3A_2, %select_n3A_536, %select_n3A_552, %dma_wait3A_561] : memref<4096x25x8x128xf32, #tpu.memory_space<hbm>> -> memref<128x1x1x64xf32, #tpu.memory_space<hbm>>
      %dma_wait3A_563 = tpu.memref_squeeze %dma_wait3A_562 : memref<128x1x1x64xf32, #tpu.memory_space<hbm>> -> memref<128x64xf32, #tpu.memory_space<hbm>>
      %dma_wait3A_564 = arith.constant 0 : i32
      %dma_wait3A_565 = arith.constant 0 : i32
      %dma_wait3A_566 = tpu.memref_slice %arg6[%dma_wait3A_553, %dma_wait3A_564, %dma_wait3A_565] : memref<4x128x64xf32, #tpu.memory_space<vmem>> -> memref<1x128x64xf32, #tpu.memory_space<vmem>>
      %dma_wait3A_567 = tpu.memref_squeeze %dma_wait3A_566 : memref<1x128x64xf32, #tpu.memory_space<vmem>> -> memref<128x64xf32, #tpu.memory_space<vmem>>
      tpu.wait_dma2 semaphore(%arg11 : memref<!tpu.dma_semaphore, #tpu.memory_space<semaphore_mem>>) src(%dma_wait3A_567 : memref<128x64xf32, #tpu.memory_space<vmem>>) dst(%dma_wait3A_563 : memref<128x64xf32, #tpu.memory_space<hbm>>)
      %add3A_568 = arith.constant 4 : i32
      %add3A_569 = arith.addi %mul3A_240, %add3A_568 : i32
      %add3A_570 = arith.constant 0 : i32
      %add3A_571 = arith.addi %add3A_569, %add3A_570 : i32
      %dma_start3A_572 = arith.constant 0 : i32
      %dma_start3A_573 = arith.constant 0 : i32
      %dma_start3A_574 = arith.constant 0 : i32
      %dma_start3A_575 = tpu.memref_slice %arg6[%dma_start3A_572, %dma_start3A_573, %dma_start3A_574] : memref<4x128x64xf32, #tpu.memory_space<vmem>> -> memref<1x128x64xf32, #tpu.memory_space<vmem>>
      %dma_start3A_576 = tpu.memref_squeeze %dma_start3A_575 : memref<1x128x64xf32, #tpu.memory_space<vmem>> -> memref<128x64xf32, #tpu.memory_space<vmem>>
      %dma_start3A_577 = arith.constant 0 : i32
      %dma_start3A_578 = tpu.memref_slice %arg5[%add3A_571, %dma_start3A_577] : memref<200x128xi32, #tpu.memory_space<vmem>> -> memref<1x128xi32, #tpu.memory_space<vmem>>
      %dma_start3A_579 = tpu.memref_squeeze %dma_start3A_578 : memref<1x128xi32, #tpu.memory_space<vmem>> -> memref<128xi32, #tpu.memory_space<vmem>>
      %dma_start3A_580 = arith.constant 0 : i32
      %dma_start3A_581 = arith.constant 0 : i32
      %dma_start3A_582 = tpu.memref_slice %arg2[%dma_start3A_580, %dma_start3A_581] : memref<1000000x64xf32, #tpu.memory_space<hbm>> -> memref<1000000x64xf32, #tpu.memory_space<hbm>>
      tpu.enqueue_indirect_dma source(%dma_start3A_582 : memref<1000000x64xf32, #tpu.memory_space<hbm>>) target(%dma_start3A_576 : memref<128x64xf32, #tpu.memory_space<vmem>>) offsets(%dma_start3A_579 : memref<128xi32, #tpu.memory_space<vmem>>) semaphore(%arg7 : memref<!tpu.dma_semaphore, #tpu.memory_space<semaphore_mem>>)
      %add3A_583 = arith.constant 1 : i32
      %add3A_584 = arith.addi %mul3A_240, %add3A_583 : i32
      %jit3A_585 = arith.constant 8 : i32
      %div3A_586 = arith.divsi %add3A_584, %jit3A_585 : i32
      %sign3A_587 = arith.constant 0 : i32
      %sign3A_588 = arith.cmpi sgt, %add3A_584, %sign3A_587 : i32
      %sign3A_589 = arith.extui %sign3A_588 : i1 to i32
      %sign3A_590 = arith.constant 0 : i32
      %sign3A_591 = arith.cmpi slt, %add3A_584, %sign3A_590 : i32
      %sign3A_592 = arith.extui %sign3A_591 : i1 to i32
      %sign3A_593 = arith.subi %sign3A_589, %sign3A_592 : i32
      %sign3A_594 = arith.constant 0 : i32
      %sign3A_595 = arith.cmpi sgt, %jit3A_585, %sign3A_594 : i32
      %sign3A_596 = arith.extui %sign3A_595 : i1 to i32
      %sign3A_597 = arith.constant 0 : i32
      %sign3A_598 = arith.cmpi slt, %jit3A_585, %sign3A_597 : i32
      %sign3A_599 = arith.extui %sign3A_598 : i1 to i32
      %sign3A_600 = arith.subi %sign3A_596, %sign3A_599 : i32
      %ne3A_601 = arith.cmpi ne, %sign3A_593, %sign3A_600 : i32
      %rem3A_602 = arith.remsi %add3A_584, %jit3A_585 : i32
      %ne3A_603 = arith.constant 0 : i32
      %ne3A_604 = arith.cmpi ne, %rem3A_602, %ne3A_603 : i32
      %and3A_605 = arith.andi %ne3A_601, %ne3A_604 : i1
      %sub3A_606 = arith.constant 1 : i32
      %sub3A_607 = arith.subi %div3A_586, %sub3A_606 : i32
      %select_n3A_608 = arith.select %and3A_605, %sub3A_607, %div3A_586 : i32
      %jit3A_609 = arith.constant 8 : i32
      %eq3A_610 = arith.constant 0 : i32
      %eq3A_611 = arith.cmpi eq, %jit3A_609, %eq3A_610 : i32
      %jit3A_612 = arith.constant 1 : i32
      %select_n3A_613 = arith.select %eq3A_611, %jit3A_612, %jit3A_609 : i32
      %rem3A_614 = arith.remsi %add3A_584, %select_n3A_613 : i32
      %ne3A_615 = arith.constant 0 : i32
      %ne3A_616 = arith.cmpi ne, %rem3A_614, %ne3A_615 : i32
      %lt3A_617 = arith.constant 0 : i32
      %lt3A_618 = arith.cmpi slt, %rem3A_614, %lt3A_617 : i32
      %lt3A_619 = arith.constant 0 : i32
      %lt3A_620 = arith.cmpi slt, %select_n3A_613, %lt3A_619 : i32
      %ne3A_621 = arith.xori %lt3A_618, %lt3A_620 : i1
      %and3A_622 = arith.andi %ne3A_621, %ne3A_616 : i1
      %add3A_623 = arith.addi %rem3A_614, %select_n3A_613 : i32
      %select_n3A_624 = arith.select %and3A_622, %add3A_623, %rem3A_614 : i32
      %dma_wait3A_625 = arith.constant 1 : i32
      %dma_wait3A_626 = arith.constant 0 : i32
      %dma_wait3A_627 = arith.constant 0 : i32
      %dma_wait3A_628 = tpu.memref_slice %arg6[%dma_wait3A_625, %dma_wait3A_626, %dma_wait3A_627] : memref<4x128x64xf32, #tpu.memory_space<vmem>> -> memref<1x128x64xf32, #tpu.memory_space<vmem>>
      %dma_wait3A_629 = tpu.memref_squeeze %dma_wait3A_628 : memref<1x128x64xf32, #tpu.memory_space<vmem>> -> memref<128x64xf32, #tpu.memory_space<vmem>>
      %dma_wait3A_630 = arith.constant 0 : i32
      %dma_wait3A_631 = tpu.memref_slice %arg4[%mul3A_2, %select_n3A_608, %select_n3A_624, %dma_wait3A_630] : memref<4096x25x8x128xf32, #tpu.memory_space<hbm>> -> memref<128x1x1x64xf32, #tpu.memory_space<hbm>>
      %dma_wait3A_632 = tpu.memref_squeeze %dma_wait3A_631 : memref<128x1x1x64xf32, #tpu.memory_space<hbm>> -> memref<128x64xf32, #tpu.memory_space<hbm>>
      %dma_wait3A_633 = arith.constant 0 : i32
      %dma_wait3A_634 = tpu.memref_slice %arg4[%mul3A_2, %select_n3A_608, %select_n3A_624, %dma_wait3A_633] : memref<4096x25x8x128xf32, #tpu.memory_space<hbm>> -> memref<128x1x1x64xf32, #tpu.memory_space<hbm>>
      %dma_wait3A_635 = tpu.memref_squeeze %dma_wait3A_634 : memref<128x1x1x64xf32, #tpu.memory_space<hbm>> -> memref<128x64xf32, #tpu.memory_space<hbm>>
      %dma_wait3A_636 = arith.constant 0 : i32
      %dma_wait3A_637 = arith.constant 0 : i32
      %dma_wait3A_638 = tpu.memref_slice %arg6[%dma_wait3A_625, %dma_wait3A_636, %dma_wait3A_637] : memref<4x128x64xf32, #tpu.memory_space<vmem>> -> memref<1x128x64xf32, #tpu.memory_space<vmem>>
      %dma_wait3A_639 = tpu.memref_squeeze %dma_wait3A_638 : memref<1x128x64xf32, #tpu.memory_space<vmem>> -> memref<128x64xf32, #tpu.memory_space<vmem>>
      tpu.wait_dma2 semaphore(%arg12 : memref<!tpu.dma_semaphore, #tpu.memory_space<semaphore_mem>>) src(%dma_wait3A_639 : memref<128x64xf32, #tpu.memory_space<vmem>>) dst(%dma_wait3A_635 : memref<128x64xf32, #tpu.memory_space<hbm>>)
      %add3A_640 = arith.constant 4 : i32
      %add3A_641 = arith.addi %mul3A_240, %add3A_640 : i32
      %add3A_642 = arith.constant 1 : i32
      %add3A_643 = arith.addi %add3A_641, %add3A_642 : i32
      %dma_start3A_644 = arith.constant 1 : i32
      %dma_start3A_645 = arith.constant 0 : i32
      %dma_start3A_646 = arith.constant 0 : i32
      %dma_start3A_647 = tpu.memref_slice %arg6[%dma_start3A_644, %dma_start3A_645, %dma_start3A_646] : memref<4x128x64xf32, #tpu.memory_space<vmem>> -> memref<1x128x64xf32, #tpu.memory_space<vmem>>
      %dma_start3A_648 = tpu.memref_squeeze %dma_start3A_647 : memref<1x128x64xf32, #tpu.memory_space<vmem>> -> memref<128x64xf32, #tpu.memory_space<vmem>>
      %dma_start3A_649 = arith.constant 0 : i32
      %dma_start3A_650 = tpu.memref_slice %arg5[%add3A_643, %dma_start3A_649] : memref<200x128xi32, #tpu.memory_space<vmem>> -> memref<1x128xi32, #tpu.memory_space<vmem>>
      %dma_start3A_651 = tpu.memref_squeeze %dma_start3A_650 : memref<1x128xi32, #tpu.memory_space<vmem>> -> memref<128xi32, #tpu.memory_space<vmem>>
      %dma_start3A_652 = arith.constant 0 : i32
      %dma_start3A_653 = arith.constant 0 : i32
      %dma_start3A_654 = tpu.memref_slice %arg2[%dma_start3A_652, %dma_start3A_653] : memref<1000000x64xf32, #tpu.memory_space<hbm>> -> memref<1000000x64xf32, #tpu.memory_space<hbm>>
      tpu.enqueue_indirect_dma source(%dma_start3A_654 : memref<1000000x64xf32, #tpu.memory_space<hbm>>) target(%dma_start3A_648 : memref<128x64xf32, #tpu.memory_space<vmem>>) offsets(%dma_start3A_651 : memref<128xi32, #tpu.memory_space<vmem>>) semaphore(%arg8 : memref<!tpu.dma_semaphore, #tpu.memory_space<semaphore_mem>>)
      %add3A_655 = arith.constant 2 : i32
      %add3A_656 = arith.addi %mul3A_240, %add3A_655 : i32
      %jit3A_657 = arith.constant 8 : i32
      %div3A_658 = arith.divsi %add3A_656, %jit3A_657 : i32
      %sign3A_659 = arith.constant 0 : i32
      %sign3A_660 = arith.cmpi sgt, %add3A_656, %sign3A_659 : i32
      %sign3A_661 = arith.extui %sign3A_660 : i1 to i32
      %sign3A_662 = arith.constant 0 : i32
      %sign3A_663 = arith.cmpi slt, %add3A_656, %sign3A_662 : i32
      %sign3A_664 = arith.extui %sign3A_663 : i1 to i32
      %sign3A_665 = arith.subi %sign3A_661, %sign3A_664 : i32
      %sign3A_666 = arith.constant 0 : i32
      %sign3A_667 = arith.cmpi sgt, %jit3A_657, %sign3A_666 : i32
      %sign3A_668 = arith.extui %sign3A_667 : i1 to i32
      %sign3A_669 = arith.constant 0 : i32
      %sign3A_670 = arith.cmpi slt, %jit3A_657, %sign3A_669 : i32
      %sign3A_671 = arith.extui %sign3A_670 : i1 to i32
      %sign3A_672 = arith.subi %sign3A_668, %sign3A_671 : i32
      %ne3A_673 = arith.cmpi ne, %sign3A_665, %sign3A_672 : i32
      %rem3A_674 = arith.remsi %add3A_656, %jit3A_657 : i32
      %ne3A_675 = arith.constant 0 : i32
      %ne3A_676 = arith.cmpi ne, %rem3A_674, %ne3A_675 : i32
      %and3A_677 = arith.andi %ne3A_673, %ne3A_676 : i1
      %sub3A_678 = arith.constant 1 : i32
      %sub3A_679 = arith.subi %div3A_658, %sub3A_678 : i32
      %select_n3A_680 = arith.select %and3A_677, %sub3A_679, %div3A_658 : i32
      %jit3A_681 = arith.constant 8 : i32
      %eq3A_682 = arith.constant 0 : i32
      %eq3A_683 = arith.cmpi eq, %jit3A_681, %eq3A_682 : i32
      %jit3A_684 = arith.constant 1 : i32
      %select_n3A_685 = arith.select %eq3A_683, %jit3A_684, %jit3A_681 : i32
      %rem3A_686 = arith.remsi %add3A_656, %select_n3A_685 : i32
      %ne3A_687 = arith.constant 0 : i32
      %ne3A_688 = arith.cmpi ne, %rem3A_686, %ne3A_687 : i32
      %lt3A_689 = arith.constant 0 : i32
      %lt3A_690 = arith.cmpi slt, %rem3A_686, %lt3A_689 : i32
      %lt3A_691 = arith.constant 0 : i32
      %lt3A_692 = arith.cmpi slt, %select_n3A_685, %lt3A_691 : i32
      %ne3A_693 = arith.xori %lt3A_690, %lt3A_692 : i1
      %and3A_694 = arith.andi %ne3A_693, %ne3A_688 : i1
      %add3A_695 = arith.addi %rem3A_686, %select_n3A_685 : i32
      %select_n3A_696 = arith.select %and3A_694, %add3A_695, %rem3A_686 : i32
      %dma_wait3A_697 = arith.constant 2 : i32
      %dma_wait3A_698 = arith.constant 0 : i32
      %dma_wait3A_699 = arith.constant 0 : i32
      %dma_wait3A_700 = tpu.memref_slice %arg6[%dma_wait3A_697, %dma_wait3A_698, %dma_wait3A_699] : memref<4x128x64xf32, #tpu.memory_space<vmem>> -> memref<1x128x64xf32, #tpu.memory_space<vmem>>
      %dma_wait3A_701 = tpu.memref_squeeze %dma_wait3A_700 : memref<1x128x64xf32, #tpu.memory_space<vmem>> -> memref<128x64xf32, #tpu.memory_space<vmem>>
      %dma_wait3A_702 = arith.constant 0 : i32
      %dma_wait3A_703 = tpu.memref_slice %arg4[%mul3A_2, %select_n3A_680, %select_n3A_696, %dma_wait3A_702] : memref<4096x25x8x128xf32, #tpu.memory_space<hbm>> -> memref<128x1x1x64xf32, #tpu.memory_space<hbm>>
      %dma_wait3A_704 = tpu.memref_squeeze %dma_wait3A_703 : memref<128x1x1x64xf32, #tpu.memory_space<hbm>> -> memref<128x64xf32, #tpu.memory_space<hbm>>
      %dma_wait3A_705 = arith.constant 0 : i32
      %dma_wait3A_706 = tpu.memref_slice %arg4[%mul3A_2, %select_n3A_680, %select_n3A_696, %dma_wait3A_705] : memref<4096x25x8x128xf32, #tpu.memory_space<hbm>> -> memref<128x1x1x64xf32, #tpu.memory_space<hbm>>
      %dma_wait3A_707 = tpu.memref_squeeze %dma_wait3A_706 : memref<128x1x1x64xf32, #tpu.memory_space<hbm>> -> memref<128x64xf32, #tpu.memory_space<hbm>>
      %dma_wait3A_708 = arith.constant 0 : i32
      %dma_wait3A_709 = arith.constant 0 : i32
      %dma_wait3A_710 = tpu.memref_slice %arg6[%dma_wait3A_697, %dma_wait3A_708, %dma_wait3A_709] : memref<4x128x64xf32, #tpu.memory_space<vmem>> -> memref<1x128x64xf32, #tpu.memory_space<vmem>>
      %dma_wait3A_711 = tpu.memref_squeeze %dma_wait3A_710 : memref<1x128x64xf32, #tpu.memory_space<vmem>> -> memref<128x64xf32, #tpu.memory_space<vmem>>
      tpu.wait_dma2 semaphore(%arg13 : memref<!tpu.dma_semaphore, #tpu.memory_space<semaphore_mem>>) src(%dma_wait3A_711 : memref<128x64xf32, #tpu.memory_space<vmem>>) dst(%dma_wait3A_707 : memref<128x64xf32, #tpu.memory_space<hbm>>)
      %add3A_712 = arith.constant 4 : i32
      %add3A_713 = arith.addi %mul3A_240, %add3A_712 : i32
      %add3A_714 = arith.constant 2 : i32
      %add3A_715 = arith.addi %add3A_713, %add3A_714 : i32
      %dma_start3A_716 = arith.constant 2 : i32
      %dma_start3A_717 = arith.constant 0 : i32
      %dma_start3A_718 = arith.constant 0 : i32
      %dma_start3A_719 = tpu.memref_slice %arg6[%dma_start3A_716, %dma_start3A_717, %dma_start3A_718] : memref<4x128x64xf32, #tpu.memory_space<vmem>> -> memref<1x128x64xf32, #tpu.memory_space<vmem>>
      %dma_start3A_720 = tpu.memref_squeeze %dma_start3A_719 : memref<1x128x64xf32, #tpu.memory_space<vmem>> -> memref<128x64xf32, #tpu.memory_space<vmem>>
      %dma_start3A_721 = arith.constant 0 : i32
      %dma_start3A_722 = tpu.memref_slice %arg5[%add3A_715, %dma_start3A_721] : memref<200x128xi32, #tpu.memory_space<vmem>> -> memref<1x128xi32, #tpu.memory_space<vmem>>
      %dma_start3A_723 = tpu.memref_squeeze %dma_start3A_722 : memref<1x128xi32, #tpu.memory_space<vmem>> -> memref<128xi32, #tpu.memory_space<vmem>>
      %dma_start3A_724 = arith.constant 0 : i32
      %dma_start3A_725 = arith.constant 0 : i32
      %dma_start3A_726 = tpu.memref_slice %arg2[%dma_start3A_724, %dma_start3A_725] : memref<1000000x64xf32, #tpu.memory_space<hbm>> -> memref<1000000x64xf32, #tpu.memory_space<hbm>>
      tpu.enqueue_indirect_dma source(%dma_start3A_726 : memref<1000000x64xf32, #tpu.memory_space<hbm>>) target(%dma_start3A_720 : memref<128x64xf32, #tpu.memory_space<vmem>>) offsets(%dma_start3A_723 : memref<128xi32, #tpu.memory_space<vmem>>) semaphore(%arg9 : memref<!tpu.dma_semaphore, #tpu.memory_space<semaphore_mem>>)
      %add3A_727 = arith.constant 3 : i32
      %add3A_728 = arith.addi %mul3A_240, %add3A_727 : i32
      %jit3A_729 = arith.constant 8 : i32
      %div3A_730 = arith.divsi %add3A_728, %jit3A_729 : i32
      %sign3A_731 = arith.constant 0 : i32
      %sign3A_732 = arith.cmpi sgt, %add3A_728, %sign3A_731 : i32
      %sign3A_733 = arith.extui %sign3A_732 : i1 to i32
      %sign3A_734 = arith.constant 0 : i32
      %sign3A_735 = arith.cmpi slt, %add3A_728, %sign3A_734 : i32
      %sign3A_736 = arith.extui %sign3A_735 : i1 to i32
      %sign3A_737 = arith.subi %sign3A_733, %sign3A_736 : i32
      %sign3A_738 = arith.constant 0 : i32
      %sign3A_739 = arith.cmpi sgt, %jit3A_729, %sign3A_738 : i32
      %sign3A_740 = arith.extui %sign3A_739 : i1 to i32
      %sign3A_741 = arith.constant 0 : i32
      %sign3A_742 = arith.cmpi slt, %jit3A_729, %sign3A_741 : i32
      %sign3A_743 = arith.extui %sign3A_742 : i1 to i32
      %sign3A_744 = arith.subi %sign3A_740, %sign3A_743 : i32
      %ne3A_745 = arith.cmpi ne, %sign3A_737, %sign3A_744 : i32
      %rem3A_746 = arith.remsi %add3A_728, %jit3A_729 : i32
      %ne3A_747 = arith.constant 0 : i32
      %ne3A_748 = arith.cmpi ne, %rem3A_746, %ne3A_747 : i32
      %and3A_749 = arith.andi %ne3A_745, %ne3A_748 : i1
      %sub3A_750 = arith.constant 1 : i32
      %sub3A_751 = arith.subi %div3A_730, %sub3A_750 : i32
      %select_n3A_752 = arith.select %and3A_749, %sub3A_751, %div3A_730 : i32
      %jit3A_753 = arith.constant 8 : i32
      %eq3A_754 = arith.constant 0 : i32
      %eq3A_755 = arith.cmpi eq, %jit3A_753, %eq3A_754 : i32
      %jit3A_756 = arith.constant 1 : i32
      %select_n3A_757 = arith.select %eq3A_755, %jit3A_756, %jit3A_753 : i32
      %rem3A_758 = arith.remsi %add3A_728, %select_n3A_757 : i32
      %ne3A_759 = arith.constant 0 : i32
      %ne3A_760 = arith.cmpi ne, %rem3A_758, %ne3A_759 : i32
      %lt3A_761 = arith.constant 0 : i32
      %lt3A_762 = arith.cmpi slt, %rem3A_758, %lt3A_761 : i32
      %lt3A_763 = arith.constant 0 : i32
      %lt3A_764 = arith.cmpi slt, %select_n3A_757, %lt3A_763 : i32
      %ne3A_765 = arith.xori %lt3A_762, %lt3A_764 : i1
      %and3A_766 = arith.andi %ne3A_765, %ne3A_760 : i1
      %add3A_767 = arith.addi %rem3A_758, %select_n3A_757 : i32
      %select_n3A_768 = arith.select %and3A_766, %add3A_767, %rem3A_758 : i32
      %dma_wait3A_769 = arith.constant 3 : i32
      %dma_wait3A_770 = arith.constant 0 : i32
      %dma_wait3A_771 = arith.constant 0 : i32
      %dma_wait3A_772 = tpu.memref_slice %arg6[%dma_wait3A_769, %dma_wait3A_770, %dma_wait3A_771] : memref<4x128x64xf32, #tpu.memory_space<vmem>> -> memref<1x128x64xf32, #tpu.memory_space<vmem>>
      %dma_wait3A_773 = tpu.memref_squeeze %dma_wait3A_772 : memref<1x128x64xf32, #tpu.memory_space<vmem>> -> memref<128x64xf32, #tpu.memory_space<vmem>>
      %dma_wait3A_774 = arith.constant 0 : i32
      %dma_wait3A_775 = tpu.memref_slice %arg4[%mul3A_2, %select_n3A_752, %select_n3A_768, %dma_wait3A_774] : memref<4096x25x8x128xf32, #tpu.memory_space<hbm>> -> memref<128x1x1x64xf32, #tpu.memory_space<hbm>>
      %dma_wait3A_776 = tpu.memref_squeeze %dma_wait3A_775 : memref<128x1x1x64xf32, #tpu.memory_space<hbm>> -> memref<128x64xf32, #tpu.memory_space<hbm>>
      %dma_wait3A_777 = arith.constant 0 : i32
      %dma_wait3A_778 = tpu.memref_slice %arg4[%mul3A_2, %select_n3A_752, %select_n3A_768, %dma_wait3A_777] : memref<4096x25x8x128xf32, #tpu.memory_space<hbm>> -> memref<128x1x1x64xf32, #tpu.memory_space<hbm>>
      %dma_wait3A_779 = tpu.memref_squeeze %dma_wait3A_778 : memref<128x1x1x64xf32, #tpu.memory_space<hbm>> -> memref<128x64xf32, #tpu.memory_space<hbm>>
      %dma_wait3A_780 = arith.constant 0 : i32
      %dma_wait3A_781 = arith.constant 0 : i32
      %dma_wait3A_782 = tpu.memref_slice %arg6[%dma_wait3A_769, %dma_wait3A_780, %dma_wait3A_781] : memref<4x128x64xf32, #tpu.memory_space<vmem>> -> memref<1x128x64xf32, #tpu.memory_space<vmem>>
      %dma_wait3A_783 = tpu.memref_squeeze %dma_wait3A_782 : memref<1x128x64xf32, #tpu.memory_space<vmem>> -> memref<128x64xf32, #tpu.memory_space<vmem>>
      tpu.wait_dma2 semaphore(%arg14 : memref<!tpu.dma_semaphore, #tpu.memory_space<semaphore_mem>>) src(%dma_wait3A_783 : memref<128x64xf32, #tpu.memory_space<vmem>>) dst(%dma_wait3A_779 : memref<128x64xf32, #tpu.memory_space<hbm>>)
      %add3A_784 = arith.constant 4 : i32
      %add3A_785 = arith.addi %mul3A_240, %add3A_784 : i32
      %add3A_786 = arith.constant 3 : i32
      %add3A_787 = arith.addi %add3A_785, %add3A_786 : i32
      %dma_start3A_788 = arith.constant 3 : i32
      %dma_start3A_789 = arith.constant 0 : i32
      %dma_start3A_790 = arith.constant 0 : i32
      %dma_start3A_791 = tpu.memref_slice %arg6[%dma_start3A_788, %dma_start3A_789, %dma_start3A_790] : memref<4x128x64xf32, #tpu.memory_space<vmem>> -> memref<1x128x64xf32, #tpu.memory_space<vmem>>
      %dma_start3A_792 = tpu.memref_squeeze %dma_start3A_791 : memref<1x128x64xf32, #tpu.memory_space<vmem>> -> memref<128x64xf32, #tpu.memory_space<vmem>>
      %dma_start3A_793 = arith.constant 0 : i32
      %dma_start3A_794 = tpu.memref_slice %arg5[%add3A_787, %dma_start3A_793] : memref<200x128xi32, #tpu.memory_space<vmem>> -> memref<1x128xi32, #tpu.memory_space<vmem>>
      %dma_start3A_795 = tpu.memref_squeeze %dma_start3A_794 : memref<1x128xi32, #tpu.memory_space<vmem>> -> memref<128xi32, #tpu.memory_space<vmem>>
      %dma_start3A_796 = arith.constant 0 : i32
      %dma_start3A_797 = arith.constant 0 : i32
      %dma_start3A_798 = tpu.memref_slice %arg2[%dma_start3A_796, %dma_start3A_797] : memref<1000000x64xf32, #tpu.memory_space<hbm>> -> memref<1000000x64xf32, #tpu.memory_space<hbm>>
      tpu.enqueue_indirect_dma source(%dma_start3A_798 : memref<1000000x64xf32, #tpu.memory_space<hbm>>) target(%dma_start3A_792 : memref<128x64xf32, #tpu.memory_space<vmem>>) offsets(%dma_start3A_795 : memref<128xi32, #tpu.memory_space<vmem>>) semaphore(%arg10 : memref<!tpu.dma_semaphore, #tpu.memory_space<semaphore_mem>>)
    }
    %scan3A_54 = arith.constant 49 : i32
    %dma_wait3A = arith.constant 196 : i32
    %dma_wait3A_55 = arith.constant 0 : i32
    %dma_wait3A_56 = arith.constant 0 : i32
    %dma_wait3A_57 = arith.constant 0 : i32
    %dma_wait3A_58 = tpu.memref_slice %arg6[%dma_wait3A_55, %dma_wait3A_56, %dma_wait3A_57] : memref<4x128x64xf32, #tpu.memory_space<vmem>> -> memref<1x128x64xf32, #tpu.memory_space<vmem>>
    %dma_wait3A_59 = tpu.memref_squeeze %dma_wait3A_58 : memref<1x128x64xf32, #tpu.memory_space<vmem>> -> memref<128x64xf32, #tpu.memory_space<vmem>>
    %dma_wait3A_60 = arith.constant 0 : i32
    %dma_wait3A_61 = tpu.memref_slice %arg5[%dma_wait3A, %dma_wait3A_60] : memref<200x128xi32, #tpu.memory_space<vmem>> -> memref<1x128xi32, #tpu.memory_space<vmem>>
    %dma_wait3A_62 = tpu.memref_squeeze %dma_wait3A_61 : memref<1x128xi32, #tpu.memory_space<vmem>> -> memref<128xi32, #tpu.memory_space<vmem>>
    %dma_wait3A_63 = arith.constant 0 : i32
    %dma_wait3A_64 = arith.constant 0 : i32
    %dma_wait3A_65 = tpu.memref_slice %arg2[%dma_wait3A_63, %dma_wait3A_64] : memref<1000000x64xf32, #tpu.memory_space<hbm>> -> memref<1000000x64xf32, #tpu.memory_space<hbm>>
    tpu.wait_indirect_dma semaphore(%arg7 : memref<!tpu.dma_semaphore, #tpu.memory_space<semaphore_mem>>) src(%dma_wait3A_65 : memref<1000000x64xf32, #tpu.memory_space<hbm>>) dst(%dma_wait3A_59 : memref<128x64xf32, #tpu.memory_space<vmem>>)
    %dma_start3A_66 = arith.constant 0 : i32
    %dma_start3A_67 = arith.constant 24 : i32
    %dma_start3A_68 = arith.constant 4 : i32
    %dma_start3A_69 = arith.constant 0 : i32
    %dma_start3A_70 = arith.constant 0 : i32
    %dma_start3A_71 = tpu.memref_slice %arg6[%dma_start3A_66, %dma_start3A_69, %dma_start3A_70] : memref<4x128x64xf32, #tpu.memory_space<vmem>> -> memref<1x128x64xf32, #tpu.memory_space<vmem>>
    %dma_start3A_72 = tpu.memref_squeeze %dma_start3A_71 : memref<1x128x64xf32, #tpu.memory_space<vmem>> -> memref<128x64xf32, #tpu.memory_space<vmem>>
    %dma_start3A_73 = arith.constant 0 : i32
    %dma_start3A_74 = tpu.memref_slice %arg4[%mul3A_2, %dma_start3A_67, %dma_start3A_68, %dma_start3A_73] : memref<4096x25x8x128xf32, #tpu.memory_space<hbm>> -> memref<128x1x1x64xf32, #tpu.memory_space<hbm>>
    %dma_start3A_75 = tpu.memref_squeeze %dma_start3A_74 : memref<128x1x1x64xf32, #tpu.memory_space<hbm>> -> memref<128x64xf32, #tpu.memory_space<hbm>>
    %dma_start3A_76 = arith.constant 0 : i32
    %dma_start3A_77 = tpu.memref_slice %arg4[%mul3A_2, %dma_start3A_67, %dma_start3A_68, %dma_start3A_76] : memref<4096x25x8x128xf32, #tpu.memory_space<hbm>> -> memref<128x1x1x64xf32, #tpu.memory_space<hbm>>
    %dma_start3A_78 = tpu.memref_squeeze %dma_start3A_77 : memref<128x1x1x64xf32, #tpu.memory_space<hbm>> -> memref<128x64xf32, #tpu.memory_space<hbm>>
    %dma_start3A_79 = arith.constant 0 : i32
    %dma_start3A_80 = arith.constant 0 : i32
    %dma_start3A_81 = tpu.memref_slice %arg6[%dma_start3A_66, %dma_start3A_79, %dma_start3A_80] : memref<4x128x64xf32, #tpu.memory_space<vmem>> -> memref<1x128x64xf32, #tpu.memory_space<vmem>>
    %dma_start3A_82 = tpu.memref_squeeze %dma_start3A_81 : memref<1x128x64xf32, #tpu.memory_space<vmem>> -> memref<128x64xf32, #tpu.memory_space<vmem>>
    tpu.enqueue_dma source(%dma_start3A_82 : memref<128x64xf32, #tpu.memory_space<vmem>>) target(%dma_start3A_78 : memref<128x64xf32, #tpu.memory_space<hbm>>) target_semaphore(%arg11 : memref<!tpu.dma_semaphore, #tpu.memory_space<semaphore_mem>>)
    %dma_wait3A_83 = arith.constant 197 : i32
    %dma_wait3A_84 = arith.constant 1 : i32
    %dma_wait3A_85 = arith.constant 0 : i32
    %dma_wait3A_86 = arith.constant 0 : i32
    %dma_wait3A_87 = tpu.memref_slice %arg6[%dma_wait3A_84, %dma_wait3A_85, %dma_wait3A_86] : memref<4x128x64xf32, #tpu.memory_space<vmem>> -> memref<1x128x64xf32, #tpu.memory_space<vmem>>
    %dma_wait3A_88 = tpu.memref_squeeze %dma_wait3A_87 : memref<1x128x64xf32, #tpu.memory_space<vmem>> -> memref<128x64xf32, #tpu.memory_space<vmem>>
    %dma_wait3A_89 = arith.constant 0 : i32
    %dma_wait3A_90 = tpu.memref_slice %arg5[%dma_wait3A_83, %dma_wait3A_89] : memref<200x128xi32, #tpu.memory_space<vmem>> -> memref<1x128xi32, #tpu.memory_space<vmem>>
    %dma_wait3A_91 = tpu.memref_squeeze %dma_wait3A_90 : memref<1x128xi32, #tpu.memory_space<vmem>> -> memref<128xi32, #tpu.memory_space<vmem>>
    %dma_wait3A_92 = arith.constant 0 : i32
    %dma_wait3A_93 = arith.constant 0 : i32
    %dma_wait3A_94 = tpu.memref_slice %arg2[%dma_wait3A_92, %dma_wait3A_93] : memref<1000000x64xf32, #tpu.memory_space<hbm>> -> memref<1000000x64xf32, #tpu.memory_space<hbm>>
    tpu.wait_indirect_dma semaphore(%arg8 : memref<!tpu.dma_semaphore, #tpu.memory_space<semaphore_mem>>) src(%dma_wait3A_94 : memref<1000000x64xf32, #tpu.memory_space<hbm>>) dst(%dma_wait3A_88 : memref<128x64xf32, #tpu.memory_space<vmem>>)
    %dma_start3A_95 = arith.constant 1 : i32
    %dma_start3A_96 = arith.constant 24 : i32
    %dma_start3A_97 = arith.constant 5 : i32
    %dma_start3A_98 = arith.constant 0 : i32
    %dma_start3A_99 = arith.constant 0 : i32
    %dma_start3A_100 = tpu.memref_slice %arg6[%dma_start3A_95, %dma_start3A_98, %dma_start3A_99] : memref<4x128x64xf32, #tpu.memory_space<vmem>> -> memref<1x128x64xf32, #tpu.memory_space<vmem>>
    %dma_start3A_101 = tpu.memref_squeeze %dma_start3A_100 : memref<1x128x64xf32, #tpu.memory_space<vmem>> -> memref<128x64xf32, #tpu.memory_space<vmem>>
    %dma_start3A_102 = arith.constant 0 : i32
    %dma_start3A_103 = tpu.memref_slice %arg4[%mul3A_2, %dma_start3A_96, %dma_start3A_97, %dma_start3A_102] : memref<4096x25x8x128xf32, #tpu.memory_space<hbm>> -> memref<128x1x1x64xf32, #tpu.memory_space<hbm>>
    %dma_start3A_104 = tpu.memref_squeeze %dma_start3A_103 : memref<128x1x1x64xf32, #tpu.memory_space<hbm>> -> memref<128x64xf32, #tpu.memory_space<hbm>>
    %dma_start3A_105 = arith.constant 0 : i32
    %dma_start3A_106 = tpu.memref_slice %arg4[%mul3A_2, %dma_start3A_96, %dma_start3A_97, %dma_start3A_105] : memref<4096x25x8x128xf32, #tpu.memory_space<hbm>> -> memref<128x1x1x64xf32, #tpu.memory_space<hbm>>
    %dma_start3A_107 = tpu.memref_squeeze %dma_start3A_106 : memref<128x1x1x64xf32, #tpu.memory_space<hbm>> -> memref<128x64xf32, #tpu.memory_space<hbm>>
    %dma_start3A_108 = arith.constant 0 : i32
    %dma_start3A_109 = arith.constant 0 : i32
    %dma_start3A_110 = tpu.memref_slice %arg6[%dma_start3A_95, %dma_start3A_108, %dma_start3A_109] : memref<4x128x64xf32, #tpu.memory_space<vmem>> -> memref<1x128x64xf32, #tpu.memory_space<vmem>>
    %dma_start3A_111 = tpu.memref_squeeze %dma_start3A_110 : memref<1x128x64xf32, #tpu.memory_space<vmem>> -> memref<128x64xf32, #tpu.memory_space<vmem>>
    tpu.enqueue_dma source(%dma_start3A_111 : memref<128x64xf32, #tpu.memory_space<vmem>>) target(%dma_start3A_107 : memref<128x64xf32, #tpu.memory_space<hbm>>) target_semaphore(%arg12 : memref<!tpu.dma_semaphore, #tpu.memory_space<semaphore_mem>>)
    %dma_wait3A_112 = arith.constant 198 : i32
    %dma_wait3A_113 = arith.constant 2 : i32
    %dma_wait3A_114 = arith.constant 0 : i32
    %dma_wait3A_115 = arith.constant 0 : i32
    %dma_wait3A_116 = tpu.memref_slice %arg6[%dma_wait3A_113, %dma_wait3A_114, %dma_wait3A_115] : memref<4x128x64xf32, #tpu.memory_space<vmem>> -> memref<1x128x64xf32, #tpu.memory_space<vmem>>
    %dma_wait3A_117 = tpu.memref_squeeze %dma_wait3A_116 : memref<1x128x64xf32, #tpu.memory_space<vmem>> -> memref<128x64xf32, #tpu.memory_space<vmem>>
    %dma_wait3A_118 = arith.constant 0 : i32
    %dma_wait3A_119 = tpu.memref_slice %arg5[%dma_wait3A_112, %dma_wait3A_118] : memref<200x128xi32, #tpu.memory_space<vmem>> -> memref<1x128xi32, #tpu.memory_space<vmem>>
    %dma_wait3A_120 = tpu.memref_squeeze %dma_wait3A_119 : memref<1x128xi32, #tpu.memory_space<vmem>> -> memref<128xi32, #tpu.memory_space<vmem>>
    %dma_wait3A_121 = arith.constant 0 : i32
    %dma_wait3A_122 = arith.constant 0 : i32
    %dma_wait3A_123 = tpu.memref_slice %arg2[%dma_wait3A_121, %dma_wait3A_122] : memref<1000000x64xf32, #tpu.memory_space<hbm>> -> memref<1000000x64xf32, #tpu.memory_space<hbm>>
    tpu.wait_indirect_dma semaphore(%arg9 : memref<!tpu.dma_semaphore, #tpu.memory_space<semaphore_mem>>) src(%dma_wait3A_123 : memref<1000000x64xf32, #tpu.memory_space<hbm>>) dst(%dma_wait3A_117 : memref<128x64xf32, #tpu.memory_space<vmem>>)
    %dma_start3A_124 = arith.constant 2 : i32
    %dma_start3A_125 = arith.constant 24 : i32
    %dma_start3A_126 = arith.constant 6 : i32
    %dma_start3A_127 = arith.constant 0 : i32
    %dma_start3A_128 = arith.constant 0 : i32
    %dma_start3A_129 = tpu.memref_slice %arg6[%dma_start3A_124, %dma_start3A_127, %dma_start3A_128] : memref<4x128x64xf32, #tpu.memory_space<vmem>> -> memref<1x128x64xf32, #tpu.memory_space<vmem>>
    %dma_start3A_130 = tpu.memref_squeeze %dma_start3A_129 : memref<1x128x64xf32, #tpu.memory_space<vmem>> -> memref<128x64xf32, #tpu.memory_space<vmem>>
    %dma_start3A_131 = arith.constant 0 : i32
    %dma_start3A_132 = tpu.memref_slice %arg4[%mul3A_2, %dma_start3A_125, %dma_start3A_126, %dma_start3A_131] : memref<4096x25x8x128xf32, #tpu.memory_space<hbm>> -> memref<128x1x1x64xf32, #tpu.memory_space<hbm>>
    %dma_start3A_133 = tpu.memref_squeeze %dma_start3A_132 : memref<128x1x1x64xf32, #tpu.memory_space<hbm>> -> memref<128x64xf32, #tpu.memory_space<hbm>>
    %dma_start3A_134 = arith.constant 0 : i32
    %dma_start3A_135 = tpu.memref_slice %arg4[%mul3A_2, %dma_start3A_125, %dma_start3A_126, %dma_start3A_134] : memref<4096x25x8x128xf32, #tpu.memory_space<hbm>> -> memref<128x1x1x64xf32, #tpu.memory_space<hbm>>
    %dma_start3A_136 = tpu.memref_squeeze %dma_start3A_135 : memref<128x1x1x64xf32, #tpu.memory_space<hbm>> -> memref<128x64xf32, #tpu.memory_space<hbm>>
    %dma_start3A_137 = arith.constant 0 : i32
    %dma_start3A_138 = arith.constant 0 : i32
    %dma_start3A_139 = tpu.memref_slice %arg6[%dma_start3A_124, %dma_start3A_137, %dma_start3A_138] : memref<4x128x64xf32, #tpu.memory_space<vmem>> -> memref<1x128x64xf32, #tpu.memory_space<vmem>>
    %dma_start3A_140 = tpu.memref_squeeze %dma_start3A_139 : memref<1x128x64xf32, #tpu.memory_space<vmem>> -> memref<128x64xf32, #tpu.memory_space<vmem>>
    tpu.enqueue_dma source(%dma_start3A_140 : memref<128x64xf32, #tpu.memory_space<vmem>>) target(%dma_start3A_136 : memref<128x64xf32, #tpu.memory_space<hbm>>) target_semaphore(%arg13 : memref<!tpu.dma_semaphore, #tpu.memory_space<semaphore_mem>>)
    %dma_wait3A_141 = arith.constant 199 : i32
    %dma_wait3A_142 = arith.constant 3 : i32
    %dma_wait3A_143 = arith.constant 0 : i32
    %dma_wait3A_144 = arith.constant 0 : i32
    %dma_wait3A_145 = tpu.memref_slice %arg6[%dma_wait3A_142, %dma_wait3A_143, %dma_wait3A_144] : memref<4x128x64xf32, #tpu.memory_space<vmem>> -> memref<1x128x64xf32, #tpu.memory_space<vmem>>
    %dma_wait3A_146 = tpu.memref_squeeze %dma_wait3A_145 : memref<1x128x64xf32, #tpu.memory_space<vmem>> -> memref<128x64xf32, #tpu.memory_space<vmem>>
    %dma_wait3A_147 = arith.constant 0 : i32
    %dma_wait3A_148 = tpu.memref_slice %arg5[%dma_wait3A_141, %dma_wait3A_147] : memref<200x128xi32, #tpu.memory_space<vmem>> -> memref<1x128xi32, #tpu.memory_space<vmem>>
    %dma_wait3A_149 = tpu.memref_squeeze %dma_wait3A_148 : memref<1x128xi32, #tpu.memory_space<vmem>> -> memref<128xi32, #tpu.memory_space<vmem>>
    %dma_wait3A_150 = arith.constant 0 : i32
    %dma_wait3A_151 = arith.constant 0 : i32
    %dma_wait3A_152 = tpu.memref_slice %arg2[%dma_wait3A_150, %dma_wait3A_151] : memref<1000000x64xf32, #tpu.memory_space<hbm>> -> memref<1000000x64xf32, #tpu.memory_space<hbm>>
    tpu.wait_indirect_dma semaphore(%arg10 : memref<!tpu.dma_semaphore, #tpu.memory_space<semaphore_mem>>) src(%dma_wait3A_152 : memref<1000000x64xf32, #tpu.memory_space<hbm>>) dst(%dma_wait3A_146 : memref<128x64xf32, #tpu.memory_space<vmem>>)
    %dma_start3A_153 = arith.constant 3 : i32
    %dma_start3A_154 = arith.constant 24 : i32
    %dma_start3A_155 = arith.constant 7 : i32
    %dma_start3A_156 = arith.constant 0 : i32
    %dma_start3A_157 = arith.constant 0 : i32
    %dma_start3A_158 = tpu.memref_slice %arg6[%dma_start3A_153, %dma_start3A_156, %dma_start3A_157] : memref<4x128x64xf32, #tpu.memory_space<vmem>> -> memref<1x128x64xf32, #tpu.memory_space<vmem>>
    %dma_start3A_159 = tpu.memref_squeeze %dma_start3A_158 : memref<1x128x64xf32, #tpu.memory_space<vmem>> -> memref<128x64xf32, #tpu.memory_space<vmem>>
    %dma_start3A_160 = arith.constant 0 : i32
    %dma_start3A_161 = tpu.memref_slice %arg4[%mul3A_2, %dma_start3A_154, %dma_start3A_155, %dma_start3A_160] : memref<4096x25x8x128xf32, #tpu.memory_space<hbm>> -> memref<128x1x1x64xf32, #tpu.memory_space<hbm>>
    %dma_start3A_162 = tpu.memref_squeeze %dma_start3A_161 : memref<128x1x1x64xf32, #tpu.memory_space<hbm>> -> memref<128x64xf32, #tpu.memory_space<hbm>>
    %dma_start3A_163 = arith.constant 0 : i32
    %dma_start3A_164 = tpu.memref_slice %arg4[%mul3A_2, %dma_start3A_154, %dma_start3A_155, %dma_start3A_163] : memref<4096x25x8x128xf32, #tpu.memory_space<hbm>> -> memref<128x1x1x64xf32, #tpu.memory_space<hbm>>
    %dma_start3A_165 = tpu.memref_squeeze %dma_start3A_164 : memref<128x1x1x64xf32, #tpu.memory_space<hbm>> -> memref<128x64xf32, #tpu.memory_space<hbm>>
    %dma_start3A_166 = arith.constant 0 : i32
    %dma_start3A_167 = arith.constant 0 : i32
    %dma_start3A_168 = tpu.memref_slice %arg6[%dma_start3A_153, %dma_start3A_166, %dma_start3A_167] : memref<4x128x64xf32, #tpu.memory_space<vmem>> -> memref<1x128x64xf32, #tpu.memory_space<vmem>>
    %dma_start3A_169 = tpu.memref_squeeze %dma_start3A_168 : memref<1x128x64xf32, #tpu.memory_space<vmem>> -> memref<128x64xf32, #tpu.memory_space<vmem>>
    tpu.enqueue_dma source(%dma_start3A_169 : memref<128x64xf32, #tpu.memory_space<vmem>>) target(%dma_start3A_165 : memref<128x64xf32, #tpu.memory_space<hbm>>) target_semaphore(%arg14 : memref<!tpu.dma_semaphore, #tpu.memory_space<semaphore_mem>>)
    %dma_wait3A_170 = arith.constant 0 : i32
    %dma_wait3A_171 = arith.constant 24 : i32
    %dma_wait3A_172 = arith.constant 4 : i32
    %dma_wait3A_173 = arith.constant 0 : i32
    %dma_wait3A_174 = arith.constant 0 : i32
    %dma_wait3A_175 = tpu.memref_slice %arg6[%dma_wait3A_170, %dma_wait3A_173, %dma_wait3A_174] : memref<4x128x64xf32, #tpu.memory_space<vmem>> -> memref<1x128x64xf32, #tpu.memory_space<vmem>>
    %dma_wait3A_176 = tpu.memref_squeeze %dma_wait3A_175 : memref<1x128x64xf32, #tpu.memory_space<vmem>> -> memref<128x64xf32, #tpu.memory_space<vmem>>
    %dma_wait3A_177 = arith.constant 0 : i32
    %dma_wait3A_178 = tpu.memref_slice %arg4[%mul3A_2, %dma_wait3A_171, %dma_wait3A_172, %dma_wait3A_177] : memref<4096x25x8x128xf32, #tpu.memory_space<hbm>> -> memref<128x1x1x64xf32, #tpu.memory_space<hbm>>
    %dma_wait3A_179 = tpu.memref_squeeze %dma_wait3A_178 : memref<128x1x1x64xf32, #tpu.memory_space<hbm>> -> memref<128x64xf32, #tpu.memory_space<hbm>>
    %dma_wait3A_180 = arith.constant 0 : i32
    %dma_wait3A_181 = tpu.memref_slice %arg4[%mul3A_2, %dma_wait3A_171, %dma_wait3A_172, %dma_wait3A_180] : memref<4096x25x8x128xf32, #tpu.memory_space<hbm>> -> memref<128x1x1x64xf32, #tpu.memory_space<hbm>>
    %dma_wait3A_182 = tpu.memref_squeeze %dma_wait3A_181 : memref<128x1x1x64xf32, #tpu.memory_space<hbm>> -> memref<128x64xf32, #tpu.memory_space<hbm>>
    %dma_wait3A_183 = arith.constant 0 : i32
    %dma_wait3A_184 = arith.constant 0 : i32
    %dma_wait3A_185 = tpu.memref_slice %arg6[%dma_wait3A_170, %dma_wait3A_183, %dma_wait3A_184] : memref<4x128x64xf32, #tpu.memory_space<vmem>> -> memref<1x128x64xf32, #tpu.memory_space<vmem>>
    %dma_wait3A_186 = tpu.memref_squeeze %dma_wait3A_185 : memref<1x128x64xf32, #tpu.memory_space<vmem>> -> memref<128x64xf32, #tpu.memory_space<vmem>>
    tpu.wait_dma2 semaphore(%arg11 : memref<!tpu.dma_semaphore, #tpu.memory_space<semaphore_mem>>) src(%dma_wait3A_186 : memref<128x64xf32, #tpu.memory_space<vmem>>) dst(%dma_wait3A_182 : memref<128x64xf32, #tpu.memory_space<hbm>>)
    %dma_wait3A_187 = arith.constant 1 : i32
    %dma_wait3A_188 = arith.constant 24 : i32
    %dma_wait3A_189 = arith.constant 5 : i32
    %dma_wait3A_190 = arith.constant 0 : i32
    %dma_wait3A_191 = arith.constant 0 : i32
    %dma_wait3A_192 = tpu.memref_slice %arg6[%dma_wait3A_187, %dma_wait3A_190, %dma_wait3A_191] : memref<4x128x64xf32, #tpu.memory_space<vmem>> -> memref<1x128x64xf32, #tpu.memory_space<vmem>>
    %dma_wait3A_193 = tpu.memref_squeeze %dma_wait3A_192 : memref<1x128x64xf32, #tpu.memory_space<vmem>> -> memref<128x64xf32, #tpu.memory_space<vmem>>
    %dma_wait3A_194 = arith.constant 0 : i32
    %dma_wait3A_195 = tpu.memref_slice %arg4[%mul3A_2, %dma_wait3A_188, %dma_wait3A_189, %dma_wait3A_194] : memref<4096x25x8x128xf32, #tpu.memory_space<hbm>> -> memref<128x1x1x64xf32, #tpu.memory_space<hbm>>
    %dma_wait3A_196 = tpu.memref_squeeze %dma_wait3A_195 : memref<128x1x1x64xf32, #tpu.memory_space<hbm>> -> memref<128x64xf32, #tpu.memory_space<hbm>>
    %dma_wait3A_197 = arith.constant 0 : i32
    %dma_wait3A_198 = tpu.memref_slice %arg4[%mul3A_2, %dma_wait3A_188, %dma_wait3A_189, %dma_wait3A_197] : memref<4096x25x8x128xf32, #tpu.memory_space<hbm>> -> memref<128x1x1x64xf32, #tpu.memory_space<hbm>>
    %dma_wait3A_199 = tpu.memref_squeeze %dma_wait3A_198 : memref<128x1x1x64xf32, #tpu.memory_space<hbm>> -> memref<128x64xf32, #tpu.memory_space<hbm>>
    %dma_wait3A_200 = arith.constant 0 : i32
    %dma_wait3A_201 = arith.constant 0 : i32
    %dma_wait3A_202 = tpu.memref_slice %arg6[%dma_wait3A_187, %dma_wait3A_200, %dma_wait3A_201] : memref<4x128x64xf32, #tpu.memory_space<vmem>> -> memref<1x128x64xf32, #tpu.memory_space<vmem>>
    %dma_wait3A_203 = tpu.memref_squeeze %dma_wait3A_202 : memref<1x128x64xf32, #tpu.memory_space<vmem>> -> memref<128x64xf32, #tpu.memory_space<vmem>>
    tpu.wait_dma2 semaphore(%arg12 : memref<!tpu.dma_semaphore, #tpu.memory_space<semaphore_mem>>) src(%dma_wait3A_203 : memref<128x64xf32, #tpu.memory_space<vmem>>) dst(%dma_wait3A_199 : memref<128x64xf32, #tpu.memory_space<hbm>>)
    %dma_wait3A_204 = arith.constant 2 : i32
    %dma_wait3A_205 = arith.constant 24 : i32
    %dma_wait3A_206 = arith.constant 6 : i32
    %dma_wait3A_207 = arith.constant 0 : i32
    %dma_wait3A_208 = arith.constant 0 : i32
    %dma_wait3A_209 = tpu.memref_slice %arg6[%dma_wait3A_204, %dma_wait3A_207, %dma_wait3A_208] : memref<4x128x64xf32, #tpu.memory_space<vmem>> -> memref<1x128x64xf32, #tpu.memory_space<vmem>>
    %dma_wait3A_210 = tpu.memref_squeeze %dma_wait3A_209 : memref<1x128x64xf32, #tpu.memory_space<vmem>> -> memref<128x64xf32, #tpu.memory_space<vmem>>
    %dma_wait3A_211 = arith.constant 0 : i32
    %dma_wait3A_212 = tpu.memref_slice %arg4[%mul3A_2, %dma_wait3A_205, %dma_wait3A_206, %dma_wait3A_211] : memref<4096x25x8x128xf32, #tpu.memory_space<hbm>> -> memref<128x1x1x64xf32, #tpu.memory_space<hbm>>
    %dma_wait3A_213 = tpu.memref_squeeze %dma_wait3A_212 : memref<128x1x1x64xf32, #tpu.memory_space<hbm>> -> memref<128x64xf32, #tpu.memory_space<hbm>>
    %dma_wait3A_214 = arith.constant 0 : i32
    %dma_wait3A_215 = tpu.memref_slice %arg4[%mul3A_2, %dma_wait3A_205, %dma_wait3A_206, %dma_wait3A_214] : memref<4096x25x8x128xf32, #tpu.memory_space<hbm>> -> memref<128x1x1x64xf32, #tpu.memory_space<hbm>>
    %dma_wait3A_216 = tpu.memref_squeeze %dma_wait3A_215 : memref<128x1x1x64xf32, #tpu.memory_space<hbm>> -> memref<128x64xf32, #tpu.memory_space<hbm>>
    %dma_wait3A_217 = arith.constant 0 : i32
    %dma_wait3A_218 = arith.constant 0 : i32
    %dma_wait3A_219 = tpu.memref_slice %arg6[%dma_wait3A_204, %dma_wait3A_217, %dma_wait3A_218] : memref<4x128x64xf32, #tpu.memory_space<vmem>> -> memref<1x128x64xf32, #tpu.memory_space<vmem>>
    %dma_wait3A_220 = tpu.memref_squeeze %dma_wait3A_219 : memref<1x128x64xf32, #tpu.memory_space<vmem>> -> memref<128x64xf32, #tpu.memory_space<vmem>>
    tpu.wait_dma2 semaphore(%arg13 : memref<!tpu.dma_semaphore, #tpu.memory_space<semaphore_mem>>) src(%dma_wait3A_220 : memref<128x64xf32, #tpu.memory_space<vmem>>) dst(%dma_wait3A_216 : memref<128x64xf32, #tpu.memory_space<hbm>>)
    %dma_wait3A_221 = arith.constant 3 : i32
    %dma_wait3A_222 = arith.constant 24 : i32
    %dma_wait3A_223 = arith.constant 7 : i32
    %dma_wait3A_224 = arith.constant 0 : i32
    %dma_wait3A_225 = arith.constant 0 : i32
    %dma_wait3A_226 = tpu.memref_slice %arg6[%dma_wait3A_221, %dma_wait3A_224, %dma_wait3A_225] : memref<4x128x64xf32, #tpu.memory_space<vmem>> -> memref<1x128x64xf32, #tpu.memory_space<vmem>>
    %dma_wait3A_227 = tpu.memref_squeeze %dma_wait3A_226 : memref<1x128x64xf32, #tpu.memory_space<vmem>> -> memref<128x64xf32, #tpu.memory_space<vmem>>
    %dma_wait3A_228 = arith.constant 0 : i32
    %dma_wait3A_229 = tpu.memref_slice %arg4[%mul3A_2, %dma_wait3A_222, %dma_wait3A_223, %dma_wait3A_228] : memref<4096x25x8x128xf32, #tpu.memory_space<hbm>> -> memref<128x1x1x64xf32, #tpu.memory_space<hbm>>
    %dma_wait3A_230 = tpu.memref_squeeze %dma_wait3A_229 : memref<128x1x1x64xf32, #tpu.memory_space<hbm>> -> memref<128x64xf32, #tpu.memory_space<hbm>>
    %dma_wait3A_231 = arith.constant 0 : i32
    %dma_wait3A_232 = tpu.memref_slice %arg4[%mul3A_2, %dma_wait3A_222, %dma_wait3A_223, %dma_wait3A_231] : memref<4096x25x8x128xf32, #tpu.memory_space<hbm>> -> memref<128x1x1x64xf32, #tpu.memory_space<hbm>>
    %dma_wait3A_233 = tpu.memref_squeeze %dma_wait3A_232 : memref<128x1x1x64xf32, #tpu.memory_space<hbm>> -> memref<128x64xf32, #tpu.memory_space<hbm>>
    %dma_wait3A_234 = arith.constant 0 : i32
    %dma_wait3A_235 = arith.constant 0 : i32
    %dma_wait3A_236 = tpu.memref_slice %arg6[%dma_wait3A_221, %dma_wait3A_234, %dma_wait3A_235] : memref<4x128x64xf32, #tpu.memory_space<vmem>> -> memref<1x128x64xf32, #tpu.memory_space<vmem>>
    %dma_wait3A_237 = tpu.memref_squeeze %dma_wait3A_236 : memref<1x128x64xf32, #tpu.memory_space<vmem>> -> memref<128x64xf32, #tpu.memory_space<vmem>>
    tpu.wait_dma2 semaphore(%arg14 : memref<!tpu.dma_semaphore, #tpu.memory_space<semaphore_mem>>) src(%dma_wait3A_237 : memref<128x64xf32, #tpu.memory_space<vmem>>) dst(%dma_wait3A_233 : memref<128x64xf32, #tpu.memory_space<hbm>>)
    return
  }
}

</mosaic_0001>

<sc_bundles>
// kernel: kernel.3.cloned.1.call-start
scs
__scs_entry_jumppad:
0x0: {  	(pc) =	sbr.rel $0x88, $3  }
0x1: {  	(tag) =	ssettag $0x0;
	lr =	simm.s32 $0x1  }
0x2: {  	[smem:$0x3F9F] =	sst lr;
	_ =	strace $0xD0000000  }
0x3: {  	_ = 	snop  }
0x4: {  	_ = 	snop  }
0x5: {  	_ = 	snop  }
0x6: {  	_ = 	snop  }
0x7: {  	_ = 	snop  }
__scs_overlays_trampoline_lowered:
0x8: {  	[smem:$0x3FAE] =	sst s0  }
0x9: {  	[smem:$0x3FAF] =	sst s1  }
0xa: {  	[smem:$0x3FB0] =	sst s2  }
0xb: {  	[smem:$0x3FB1] =	sst s3  }
0xc: {  	[smem:$0x3FB2] =	sst s4  }
0xd: {  	[smem:$0x3FB3] =	sst s5  }
0xe: {  	[smem:$0x3FB4] =	sst s6  }
0xf: {  	[smem:$0x3FB5] =	sst s7  }
0x10: {  	[smem:$0x3FB6] =	sst s8  }
0x11: {  	[smem:$0x3FB7] =	sst s9;
	s0 =	simm.s32 @!p0 $0x0  }
0x12: {  	s1 =	sld [smem:$0x3F9D];
	s0 =	simm.s32 @p0 $0x1  }
0x13: {  	[smem:$0x3FB8] =	sst s0;
	s0 =	simm.s32 @!p1 $0x0  }
0x14: {  	s2 =	sld [smem:$0x3F9C];
	s0 =	simm.s32 @p1 $0x1  }
0x15: {  	[smem:$0x3FB9] =	sst s0;
	s0 =	simm.s32 @!p2 $0x0  }
0x16: {  	s3 =	sld [smem:$0x3FDB];
	s0 =	simm.s32 @p2 $0x1  }
0x17: {  	s4 =	simm.s32 $0x1BF5;
	[smem:$0x3FBB] =	sst s0  }
0x18: {  	s0 =	sld [smem:$0x3F9E];
	_ =	swait.ge [sflag:s4], $0x0  }
0x19: {  	s7 =	sld [smem:$0x3F9F]  }
0x1a: {  	s8 =	sadd.s32 $0xFFFFE003, lr  }
0x1b: {  	s9 =	sadd.s32 $0xFFFFFEF7, lr;
	s5 =	simm.s32 $0xFFFFFFFF;
	p2 =	slt.u32 s8, $0xFFFFF086  }
0x1c: {  	p1 =	slt.u32 s9, $0xF7A;
	s5 =	simm.s32 @!p2 $0x0  }
0x1d: {  	s5 =	simm.s32 @p1 $0x1;
	p0 =	seq.s32 s7, s2  }
0x1e: {  	s7 =	smul.u32 @!p0 $0xF7A, s2;
	p2 =	seq.s32 @!p0 s5, $0x0  }
0x1f: {  	s9 =	smul.u32 $0xF7A, s1;
	s8 =	simm.s32 @!p0 $0x1BF5;
	p2 =	por !p2, p0  }
0x20: {  	[sflag:s8] =	ssyncset.s32 @!p0 $0xFFFFF086;
	s6 =	sadd.s32 @!p0 s3, s7;
	s7 =	simm.s32 @!p0 $0x108  }
0x21: {  	s3 =	sadd.s32 s3, s9;
	s6 =	sadd.s32 @!p0 $0x88, s6;
	s7 =	simm.s32 @p2 $0x1082  }
0x22: {  	[simem:s7], [sflag:s8] =	dma.local @!p0 [hbm:s6], $0xF7A  }
0x23: {  	s9 =	sor.u32 $0xD0000000, s2;
	s6 =	simm.s32 $0x108;
	_ =	swait.ge @!p0 [sflag:s8], $0x0  }
0x24: {  	s3 =	sadd.s32 $0x88, s3;
	s6 =	simm.s32 @!p1 $0x1082;
	[sflag:s4] =	ssyncset.s32 $0xFFFFF086  }
0x25: {  	[simem:s6], [sflag:s4] =	dma.local [hbm:s3], $0xF7A  }
0x26: {  	[smem:$0x3F9F] =	sst s1;
	(tag) =	ssettag s2;
	_ =	strace s9  }
0x27: {  	s1 =	sld [smem:$0x3FAF]  }
0x28: {  	s2 =	sld [smem:$0x3FB0]  }
0x29: {  	s4 =	sld [smem:$0x3FB2]  }
0x2a: {  	p0 =	seq.s32 s5, $0x0;
	s5 =	sld [smem:$0x3FB3]  }
0x2b: {  	s6 =	sld [smem:$0x3FB4]  }
0x2c: {  	s7 =	sld [smem:$0x3FB5]  }
0x2d: {  	s3 =	simm.s32 $0x108;
	s8 =	sld [smem:$0x3FB6]  }
0x2e: {  	s3 =	simm.s32 @!p0 $0x1082;
	s9 =	sld [smem:$0x3FB7]  }
0x2f: {  	lr =	sadd.s32 s0, s3;
	s0 =	sld [smem:$0x3FAE]  }
0x30: {  	s3 =	sld [smem:$0x3FB1]  }
0x31: {  	[smem:$0x3FBA] =	sst s10  }
0x32: {  	s10 =	sld [smem:$0x3FB8];
	_ =	sdelay $0x3  }
0x33: {  	p0 =	seq.s32 s10, $0x1;
	s10 =	sld [smem:$0x3FBA];
	_ =	sdelay $0x3  }
0x34: {  	[smem:$0x3FBA] =	sst s10  }
0x35: {  	s10 =	sld [smem:$0x3FB9];
	_ =	sdelay $0x3  }
0x36: {  	p1 =	seq.s32 s10, $0x1;
	s10 =	sld [smem:$0x3FBA];
	_ =	sdelay $0x3  }
0x37: {  	[smem:$0x3FBA] =	sst s10  }
0x38: {  	s10 =	sld [smem:$0x3FBB]  }
0x39: {  	_ = 	snop;
	(pc) =	sbr.ind lr, $3  }
0x3a: {  	_ = 	snop  }
0x3b: {  	_ = 	snop  }
0x3c: {  	p2 =	seq.s32 s10, $0x1;
	s10 =	sld [smem:$0x3FBA]  }
0x3d: {  	_ =	shalt  }
0x3e: {  	_ =	shalt  }
0x3f: {  	_ =	shalt  }
0x40: {  	_ =	shalt  }
0x41: {  	_ =	shalt  }
0x42: {  	_ =	shalt  }
0x43: {  	_ =	shalt  }
0x44: {  	_ =	shalt  }
0x45: {  	_ =	shalt  }
0x46: {  	_ =	shalt  }
0x47: {  	_ =	shalt  }
0x48: {  	_ =	shalt  }
0x49: {  	_ =	shalt  }
0x4a: {  	_ =	shalt  }
0x4b: {  	_ =	shalt  }
0x4c: {  	_ =	shalt  }
0x4d: {  	_ =	shalt  }
0x4e: {  	_ =	shalt  }
0x4f: {  	_ =	shalt  }
0x50: {  	_ =	shalt  }
0x51: {  	_ =	shalt  }
0x52: {  	_ =	shalt  }
0x53: {  	_ =	shalt  }
0x54: {  	_ =	shalt  }
0x55: {  	_ =	shalt  }
0x56: {  	_ =	shalt  }
0x57: {  	_ =	shalt  }
0x58: {  	_ =	shalt  }
0x59: {  	_ =	shalt  }
0x5a: {  	_ =	shalt  }
0x5b: {  	_ =	shalt  }
0x5c: {  	_ =	shalt  }
0x5d: {  	_ =	shalt  }
0x5e: {  	_ =	shalt  }
0x5f: {  	_ =	shalt  }
0x60: {  	_ =	shalt  }
0x61: {  	_ =	shalt  }
0x62: {  	_ =	shalt  }
0x63: {  	_ =	shalt  }
0x64: {  	_ =	shalt  }
0x65: {  	_ =	shalt  }
0x66: {  	_ =	shalt  }
0x67: {  	_ =	shalt  }
0x68: {  	_ =	shalt  }
0x69: {  	_ =	shalt  }
0x6a: {  	_ =	shalt  }
0x6b: {  	_ =	shalt  }
0x6c: {  	_ =	shalt  }
0x6d: {  	_ =	shalt  }
0x6e: {  	_ =	shalt  }
0x6f: {  	_ =	shalt  }
0x70: {  	_ =	shalt  }
0x71: {  	_ =	shalt  }
0x72: {  	_ =	shalt  }
0x73: {  	_ =	shalt  }
0x74: {  	_ =	shalt  }
0x75: {  	_ =	shalt  }
0x76: {  	_ =	shalt  }
0x77: {  	_ =	shalt  }
0x78: {  	_ =	shalt  }
0x79: {  	_ =	shalt  }
0x7a: {  	_ =	shalt  }
0x7b: {  	_ =	shalt  }
0x7c: {  	_ =	shalt  }
0x7d: {  	_ =	shalt  }
0x7e: {  	_ =	shalt  }
0x7f: {  	_ =	shalt  }
0x80: {  	_ =	shalt  }
0x81: {  	_ =	shalt  }
0x82: {  	_ =	shalt  }
0x83: {  	_ =	shalt  }
0x84: {  	_ =	shalt  }
0x85: {  	_ =	shalt  }
0x86: {  	_ =	shalt  }
0x87: {  	_ =	shalt  }
.Lfunc_end0:
.L_simem_size_0:
called_computation.1_lowered:
.L_overlay_start_0:
0x88: {  	s2 =	sld [smem:$0x3FD9]  }
0x89: {  	s3 =	sld [smem:$0x3FFE];
	_ =	sdelay $0x1  }
0x8a: {  	s1 =	srdreg.scid  }
0x8b: {  	s0 =	sand.u32 $0x1, s1  }
0x8c: {  	s17 =	sshll.u32 s0, $0xA;
	s2 =	sadd.s32 s3, s2  }
0x8d: {  	s2 =	sadd.s32 s2, s17  }
0x8e: {  	[smem:$0x3FC6] =	sst s2  }
0x8f: {  	_ = 	snop  }
0x90: {  	s2 =	sld [smem:$0x3FD0];
	(tm) =	ssettm $0x1  }
0x91: {  	s18 =	sld [smem:$0x3FFB];
	_ =	sdelay $0x3  }
0x92: {  	_ =	strace s18  }
0x93: {  	s3 =	sld [smem:$0x3FFC];
	_ =	sdelay $0x3  }
0x94: {  	_ =	strace s3  }
0x95: {  	s3 =	sld [smem:$0x3FFD];
	_ =	sdelay $0x3  }
0x96: {  	_ =	strace s3  }
0x97: {  	_ =	strace $0x8FFFFFFF  }
0x98: {  	s19 =	sld [smem:$0x3FDB];
	_ =	sdelay $0x1  }
0x99: {  	s4 =	simm.s32 $_scs_section_size  }
0x9a: {  	s5 =	simm.s32 $_size__tile_overlayer_lowered;
	s6 =	simm.s32 $_tile_overlayer_lowered  }
0x9b: {  	s22 =	simm.s32 $0x1BFF;
	s21 =	sshll.u32 s6, $0x1;
	s3 =	sadd.s32 s4, s19  }
0x9c: {  	s7 =	simm.s32 $0x0;
	s20 =	sshll.u32 s5, $0x1;
	s5 =	sadd.s32 s21, s3  }
0x9d: {  	[timem:s7], [sflag:s22] =	dma.local [hbm:s5], s20  }
0x9e: {  	_ =	swait.ge [sflag:s22], s20  }
0x9f: {  	s4 =	ssub.s32 $0x0, s20;
	[sflag:s22] =	ssyncset.done $0x0  }
0xa0: {  	[sflag:s22] =	ssyncadd.s32 s4;
	_ =	sdelay $0x1  }
0xa1: {  	s23 =	simm.s32 $0x1B8B  }
0xa2: {  	_ =	swait.ge [sflag:s23], $0x1  }
0xa3: {  	[sflag:s23] =	ssyncset.done $0x0  }
0xa4: {  	s25 =	simm.s32 $0x1B8E;
	s24 =	sld [smem:$0x3FFE];
	[sflag:s23] =	ssyncadd.s32 $0xFFFFFFFF  }
0xa5: {  	s26 =	simm.s32 $execute0_lowered;
	[smem:$0x3FD2] =	sst s25  }
0xa6: {  	s5 =	sshll.u32 s26, $0x1;
	_ =	strace $0x80000046;
	[dreg:$0x1] =	wrdreg $0xFFFFFFFF  }
0xa7: {  	s28 =	simm.s32 $_size_execute0_lowered;
	s3 =	sadd.s32 s3, s5;
	[dreg:$0x0] =	wrdreg $0x0  }
0xa8: {  	s5 =	sshll.u32 s28, $0x1;
	[dreg:$0x2] =	wrdreg s3  }
0xa9: {  	[dreg:$0x3] =	wrdreg s5  }
0xaa: {  	[dreg:$0x4] =	wrdreg $0xC0  }
0xab: {  	_ =	task [dreg:s7], $0x5FFFF  }
0xac: {  	[dreg:$0x1] =	wrdreg $0xFFFFFFFF  }
0xad: {  	[dreg:$0x0] =	wrdreg $0x60  }
0xae: {  	[dreg:$0x2] =	wrdreg s24  }
0xaf: {  	[dreg:$0x3] =	wrdreg s2  }
0xb0: {  	[dreg:$0x4] =	wrdreg $0x9  }
0xb1: {  	_ =	task.clear_ibuf [dreg:s7], $0x5FFFF;
	_ =	strace $0x90000046  }
0xb2: {  	s29 =	simm.s32 $0x9;
	_ =	strace $0x80000048  }
0xb3: {  	_ =	swait.ge [sflag:s29], $0x1  }
0xb4: {  	[sflag:s29] =	ssyncadd.s32 $0xFFFFFFFF  }
0xb5: {  	_ =	strace $0x90000048  }
0xb6: {  	_ =	sfence  }
0xb7: {  	s30 =	sld [smem:$0x0];
	_ =	sdelay $0x2  }
0xb8: {  	s31 =	sshll.u32 s1, $0xD;
	s1 =	sshrl.u32 s1, $0x2  }
0xb9: {  	s3 =	sand.u32 $0x4000, s31;
	s1 =	sadd.s32 s1, s30  }
0xba: {  	s0 =	sor.u32 s3, s0;
	s1 =	sshll.u32 s1, $0x11  }
0xbb: {  	s0 =	sor.u32 s1, s0  }
0xbc: {  	s0 =	sadd.s32 $0x8F2B, s0  }
0xbd: {  	[sflag:s0] =	ssyncadd.remote.s32 $0x1  }
0xbe: {  	_ =	sfence.sel $0xFFFF  }
0xbf: {  	[dreg:$0x0] =	wrdreg $0xFFFFFFFF;
	(pc) =	sbr.abs _section_cstart, $3  }
0xc0: {  	[dreg:$0x1] =	wrdreg $0xFFFFFFFF  }
0xc1: {  	_ =	task.clear_ibuf [dreg:s7], $0x2FFFF;
	_ =	strace $0x9FFFFFFF  }
0xc2: {  	(tm) =	ssettm $0x7FFFFFFF  }
0xc3: {  	_ =	shalt  }
tec
execute0_lowered:
.L_overlay_start_1:
0x0: {  	(tag) =	ssettag $0x1  }
0x1: {  	s0 =	rddreg [dreg:$0x0]  }
0x2: {  	s1 =	rddreg [dreg:$0x1]  }
0x3: {  	s2 =	srdreg.scid;
	s10 =	stileid.u32  }
0x4: {  	s12 =	simm.s32 $0x80;
	s14 =	simm.s32 $0x9;
	s15 =	simm.s32 $0x6400  }
0x5: {  	s16 =	simm.s32 $0x8400;
	s28 =	simm.s32 $0x6;
	s29 =	simm.s32 $0x7  }
0x6: {  	s30 =	simm.s32 $0x8;
	s31 =	simm.s32 $0x0;
	s5 =	sand.u32 $0x1, s2  }
0x7: {  	s2 =	simm.s32 $0x0;
	s3 =	sshll.u32 s10, $0x8;
	s10 =	smul.u32 $0x640000, s10  }
0x8: {  	s4 =	sshll.u32 s5, $0x7;
	[smem:$0x7FF] =	sst s2;
	s6 =	ssub.s32 $0x2, s5  }
0x9: {  	s23 =	smul.u32 $0x320000, s5;
	s7 =	sor.u32 s4, s3;
	_ =	strace $0x80000047  }
0xa: {  	s8 =	sshrl.u32 s6, $0x1;
	s3 =	sadd.s32 $0xF42E00, s0;
	s4 =	sadd.s32 $0xA00, s0  }
0xb: {  	s9 =	smul.u32 $0x6400, s7;
	s18 =	ssub.s32 s6, s8;
	s19 =	sshrl.u32 s7, $0x3  }
0xc: {  	s7 =	smul.u32 $0xC80, s7;
	s10 =	sadd.s32 s23, s10;
	s23 =	simm.s32 $0x2  }
0xd: {  	s1 =	sadd.s32 s1, s19;
	s26 =	sshrl.u32 s10, $0x3;
	s10 =	smax.u32 s18, $0x1  }
0xe: {  	s18 =	simm.s32 $0xA400;
	s20 =	sor.u32 $0x80, s9;
	[dreg:$0x6] =	wrdreg s1  }
0xf: {  	s21 =	sor.u32 $0x100, s9;
	s22 =	sor.u32 $0x180, s9;
	[dreg:$0x3] =	wrdreg s20  }
0x10: {  	s24 =	sadd.s32 s7, s4;
	s11 =	sadd.s32 s26, s4;
	[dreg:$0x4] =	wrdreg s21  }
0x11: {  	s26 =	simm.s32 $0x5;
	[dreg:$0x5] =	wrdreg s22;
	s25 =	sadd.s32 $0xC40, s24  }
0x12: {  	s7 =	sadd.s32 $0xC50, s24;
	s8 =	sadd.s32 $0xC60, s24;
	s9 =	sadd.s32 $0xC70, s24  }
0x13: {  	s20 =	simm.s32 $0xC400;
	s21 =	simm.s32 $0x1;
	s22 =	simm.s32 $0x40  }
0x14: {  	s24 =	simm.s32 $0x3;
	[dreg:$0x7] =	wrdreg s25;
	s25 =	simm.s32 $0x4  }
.LBB2_1:
0x15: {  	s0 =	rddreg [dreg:$0x6];
	s1 =	simm.s32 $0x1000  }
0x16: {  	[tilespmem:s2], [sflag:$0x9] =	stream.strided.gather [hbm4b:s0+s12], $0x6400, s1, s12, $0x38;
	[tilespmem:$0xE400] =	vst v63  }
0x17: {  	_ =	swait.ge [sflag:s14], $0x6400  }
0x18: {  	[sflag:s14] =	ssyncset.done $0x0  }
0x19: {  	[sflag:s14] =	ssyncadd.s32 $0xFFFF9C00  }
0x1a: {  	[tilespmem:s15], [sflag:$0x1] =	stream.indirect.gather [hbm4b:s3+s12], $0x40, s2, s12, $0xb8;
	[tilespmem:$0xE400] =	vst v63  }
0x1b: {  	_ = 	snop  }
0x1c: {  	[tilespmem:s16], [sflag:$0x2] =	stream.indirect.gather [hbm4b:s3+s12], $0x40, s12, s12, $0xb8;
	[tilespmem:$0xE400] =	vst v63  }
0x1d: {  	s6 =	simm.s32 $0x100  }
0x1e: {  	[tilespmem:s18], [sflag:$0x3] =	stream.indirect.gather [hbm4b:s3+s12], $0x40, s6, s12, $0xb8;
	[tilespmem:$0xE400] =	vst v63  }
0x1f: {  	s13 =	simm.s32 $0x180  }
0x20: {  	[tilespmem:s20], [sflag:$0x4] =	stream.indirect.gather [hbm4b:s3+s12], $0x40, s13, s12, $0xb8;
	[tilespmem:$0xE400] =	vst v63  }
0x21: {  	_ =	swait.ge [sflag:s21], $0x2000  }
0x22: {  	[sflag:s21] =	ssyncset.done $0x0  }
0x23: {  	[sflag:s21] =	ssyncadd.s32 $0xFFFFE000  }
0x24: {  	[hbm4b:s11+s22] =	stream.strided.scatter [tilespmem:s15], [sflag:$0x5], $0x2000, s15, s22, $0x38;
	[tilespmem:$0xE400] =	vst v63  }
0x25: {  	_ =	swait.ge [sflag:s23], $0x2000  }
0x26: {  	s19 =	sand.u32 $0x200, s2;
	s17 =	rddreg [dreg:$0x3]  }
0x27: {  	s13 =	sand.u32 $0x7C00, s2;
	s0 =	sor.u32 s17, s19  }
0x28: {  	s0 =	sor.u32 s13, s0  }
0x29: {  	[sflag:s23] =	ssyncset.done $0x0;
	s0 =	sshrl.u32 s0, $0x3  }
0x2a: {  	[sflag:s23] =	ssyncadd.s32 $0xFFFFE000;
	s0 =	sadd.s32 s4, s0  }
0x2b: {  	[hbm4b:s0+s22] =	stream.strided.scatter [tilespmem:s16], [sflag:$0x6], $0x2000, s15, s22, $0x38;
	[tilespmem:$0xE400] =	vst v63  }
0x2c: {  	_ =	swait.ge [sflag:s24], $0x2000  }
0x2d: {  	s5 =	rddreg [dreg:$0x4]  }
0x2e: {  	s0 =	sor.u32 s5, s19  }
0x2f: {  	s0 =	sor.u32 s13, s0  }
0x30: {  	[sflag:s24] =	ssyncset.done $0x0;
	s0 =	sshrl.u32 s0, $0x3  }
0x31: {  	[sflag:s24] =	ssyncadd.s32 $0xFFFFE000;
	s0 =	sadd.s32 s4, s0  }
0x32: {  	[hbm4b:s0+s22] =	stream.strided.scatter [tilespmem:s18], [sflag:$0x7], $0x2000, s15, s22, $0x38;
	[tilespmem:$0xE400] =	vst v63  }
0x33: {  	_ =	swait.ge [sflag:s25], $0x2000  }
0x34: {  	s6 =	rddreg [dreg:$0x5]  }
0x35: {  	s0 =	sor.u32 s6, s19  }
0x36: {  	s0 =	sor.u32 s13, s0  }
0x37: {  	[sflag:s25] =	ssyncset.done $0x0;
	s0 =	sshrl.u32 s0, $0x3  }
0x38: {  	[sflag:s25] =	ssyncadd.s32 $0xFFFFE000;
	s0 =	sadd.s32 s4, s0  }
0x39: {  	[hbm4b:s0+s22] =	stream.strided.scatter [tilespmem:s20], [sflag:$0x8], $0x2000, s15, s22, $0x38;
	[tilespmem:$0xE400] =	vst v63  }
0x3a: {  	_ =	swait.ge [sflag:s26], $0x2000  }
0x3b: {  	[sflag:s26] =	ssyncset.done $0x0  }
0x3c: {  	s13 =	simm.s32 $0x200;
	[sflag:s26] =	ssyncadd.s32 $0xFFFFE000  }
0x3d: {  	[tilespmem:s15], [sflag:$0x1] =	stream.indirect.gather [hbm4b:s3+s12], $0x40, s13, s12, $0xb8;
	[tilespmem:$0xE400] =	vst v63  }
0x3e: {  	_ =	swait.ge [sflag:s28], $0x2000  }
0x3f: {  	[sflag:s28] =	ssyncset.done $0x0  }
0x40: {  	s17 =	simm.s32 $0x280;
	[sflag:s28] =	ssyncadd.s32 $0xFFFFE000  }
0x41: {  	[tilespmem:s16], [sflag:$0x2] =	stream.indirect.gather [hbm4b:s3+s12], $0x40, s17, s12, $0xb8;
	[tilespmem:$0xE400] =	vst v63  }
0x42: {  	_ =	swait.ge [sflag:s29], $0x2000  }
0x43: {  	[sflag:s29] =	ssyncset.done $0x0  }
0x44: {  	s19 =	simm.s32 $0x300;
	[sflag:s29] =	ssyncadd.s32 $0xFFFFE000  }
0x45: {  	[tilespmem:s18], [sflag:$0x3] =	stream.indirect.gather [hbm4b:s3+s12], $0x40, s19, s12, $0xb8;
	[tilespmem:$0xE400] =	vst v63  }
0x46: {  	_ =	swait.ge [sflag:s30], $0x2000  }
0x47: {  	s1 =	simm.s32 $0x200;
	s0 =	simm.s32 $0x800;
	[sflag:s30] =	ssyncset.done $0x0  }
0x48: {  	s13 =	sadd.s32 $0x40, s11;
	s17 =	simm.s32 $0x380;
	[sflag:s30] =	ssyncadd.s32 $0xFFFFE000  }
.LBB2_2:
0x49: {  	[tilespmem:s20], [sflag:$0x4] =	stream.indirect.gather [hbm4b:s3+s12], $0x40, s17, s12, $0xb8;
	[tilespmem:$0xE400] =	vst v63  }
0x4a: {  	_ =	swait.ge [sflag:s21], $0x2000  }
0x4b: {  	[sflag:s21] =	ssyncset.done $0x0  }
0x4c: {  	[sflag:s21] =	ssyncadd.s32 $0xFFFFE000  }
0x4d: {  	[hbm4b:s13+s22] =	stream.strided.scatter [tilespmem:s15], [sflag:$0x5], $0x2000, s15, s22, $0x38;
	[tilespmem:$0xE400] =	vst v63  }
0x4e: {  	_ =	swait.ge [sflag:s23], $0x2000  }
0x4f: {  	s5 =	sand.u32 $0x200, s1;
	s19 =	rddreg [dreg:$0x3]  }
0x50: {  	s6 =	sand.u32 $0x7C00, s1;
	s19 =	sor.u32 s19, s5  }
0x51: {  	s19 =	sor.u32 s6, s19  }
0x52: {  	[sflag:s23] =	ssyncset.done $0x0;
	s19 =	sshrl.u32 s19, $0x3  }
0x53: {  	[sflag:s23] =	ssyncadd.s32 $0xFFFFE000;
	s19 =	sadd.s32 s4, s19  }
0x54: {  	[hbm4b:s19+s22] =	stream.strided.scatter [tilespmem:s16], [sflag:$0x6], $0x2000, s15, s22, $0x38;
	[tilespmem:$0xE400] =	vst v63  }
0x55: {  	_ =	swait.ge [sflag:s24], $0x2000  }
0x56: {  	s19 =	rddreg [dreg:$0x4]  }
0x57: {  	s19 =	sor.u32 s19, s5  }
0x58: {  	s19 =	sor.u32 s6, s19  }
0x59: {  	[sflag:s24] =	ssyncset.done $0x0;
	s19 =	sshrl.u32 s19, $0x3  }
0x5a: {  	[sflag:s24] =	ssyncadd.s32 $0xFFFFE000;
	s19 =	sadd.s32 s4, s19  }
0x5b: {  	[hbm4b:s19+s22] =	stream.strided.scatter [tilespmem:s18], [sflag:$0x7], $0x2000, s15, s22, $0x38;
	[tilespmem:$0xE400] =	vst v63  }
0x5c: {  	_ =	swait.ge [sflag:s25], $0x2000  }
0x5d: {  	s19 =	rddreg [dreg:$0x5]  }
0x5e: {  	s5 =	sor.u32 s19, s5  }
0x5f: {  	s5 =	sor.u32 s6, s5  }
0x60: {  	[sflag:s25] =	ssyncset.done $0x0;
	s5 =	sshrl.u32 s5, $0x3  }
0x61: {  	[sflag:s25] =	ssyncadd.s32 $0xFFFFE000;
	s5 =	sadd.s32 s4, s5  }
0x62: {  	[hbm4b:s5+s22] =	stream.strided.scatter [tilespmem:s20], [sflag:$0x8], $0x2000, s15, s22, $0x38;
	[tilespmem:$0xE400] =	vst v63  }
0x63: {  	s17 =	smov.u32 s0;
	_ =	swait.ge [sflag:s26], $0x2000  }
0x64: {  	s5 =	sshra.s32 s17, $0x2;
	[sflag:s26] =	ssyncset.done $0x0  }
0x65: {  	s19 =	sadd.s32 $0x200, s5;
	[sflag:s26] =	ssyncadd.s32 $0xFFFFE000  }
0x66: {  	[tilespmem:s15], [sflag:$0x1] =	stream.indirect.gather [hbm4b:s3+s12], $0x40, s19, s12, $0xb8;
	[tilespmem:$0xE400] =	vst v63  }
0x67: {  	_ =	swait.ge [sflag:s28], $0x2000  }
0x68: {  	[sflag:s28] =	ssyncset.done $0x0  }
0x69: {  	s17 =	sadd.s32 $0x280, s5;
	[sflag:s28] =	ssyncadd.s32 $0xFFFFE000  }
0x6a: {  	[tilespmem:s16], [sflag:$0x2] =	stream.indirect.gather [hbm4b:s3+s12], $0x40, s17, s12, $0xb8;
	[tilespmem:$0xE400] =	vst v63  }
0x6b: {  	_ =	swait.ge [sflag:s29], $0x2000  }
0x6c: {  	p0 =	sne.s32 s0, $0x18000;
	[sflag:s29] =	ssyncset.done $0x0  }
.Ltmp0:
0x6d: {  	s19 =	sadd.s32 $0x300, s5;
	[sflag:s29] =	ssyncadd.s32 $0xFFFFE000;
	(pc) =	sbr.rel @p0 .LBB2_2-.Ltmp0, $4  }
0x6e: {  	[tilespmem:s18], [sflag:$0x3] =	stream.indirect.gather [hbm4b:s3+s12], $0x40, s19, s12, $0xb8;
	[tilespmem:$0xE400] =	vst v63  }
0x6f: {  	_ =	swait.ge [sflag:s30], $0x2000  }
0x70: {  	s0 =	sadd.s32 $0x800, s0;
	s1 =	sadd.s32 $0x200, s1;
	[sflag:s30] =	ssyncset.done $0x0  }
0x71: {  	s13 =	sadd.s32 $0x40, s13;
	s17 =	sadd.s32 $0x380, s5;
	[sflag:s30] =	ssyncadd.s32 $0xFFFFE000  }
0x72: {  	[tilespmem:s20], [sflag:$0x4] =	stream.indirect.gather [hbm4b:s3+s12], $0x40, s17, s12, $0xb8;
	[tilespmem:$0xE400] =	vst v63  }
0x73: {  	_ =	swait.ge [sflag:s21], $0x2000  }
0x74: {  	[sflag:s21] =	ssyncset.done $0x0  }
0x75: {  	s0 =	rddreg [dreg:$0x7];
	[sflag:s21] =	ssyncadd.s32 $0xFFFFE000  }
0x76: {  	[hbm4b:s0+s22] =	stream.strided.scatter [tilespmem:s15], [sflag:$0x5], $0x2000, s15, s22, $0x38;
	[tilespmem:$0xE400] =	vst v63  }
0x77: {  	_ =	swait.ge [sflag:s23], $0x2000  }
0x78: {  	[sflag:s23] =	ssyncset.done $0x0  }
0x79: {  	[sflag:s23] =	ssyncadd.s32 $0xFFFFE000  }
0x7a: {  	[hbm4b:s7+s22] =	stream.strided.scatter [tilespmem:s16], [sflag:$0x6], $0x2000, s15, s22, $0x38;
	[tilespmem:$0xE400] =	vst v63  }
0x7b: {  	_ =	swait.ge [sflag:s24], $0x2000  }
0x7c: {  	[sflag:s24] =	ssyncset.done $0x0  }
0x7d: {  	[sflag:s24] =	ssyncadd.s32 $0xFFFFE000  }
0x7e: {  	[hbm4b:s8+s22] =	stream.strided.scatter [tilespmem:s18], [sflag:$0x7], $0x2000, s15, s22, $0x38;
	[tilespmem:$0xE400] =	vst v63  }
0x7f: {  	_ =	swait.ge [sflag:s25], $0x2000  }
0x80: {  	[sflag:s25] =	ssyncset.done $0x0  }
0x81: {  	[sflag:s25] =	ssyncadd.s32 $0xFFFFE000  }
0x82: {  	[hbm4b:s9+s22] =	stream.strided.scatter [tilespmem:s20], [sflag:$0x8], $0x2000, s15, s22, $0x38;
	[tilespmem:$0xE400] =	vst v63  }
0x83: {  	_ =	swait.ge [sflag:s26], $0x2000  }
0x84: {  	[sflag:s26] =	ssyncset.done $0x0  }
0x85: {  	[sflag:s26] =	ssyncadd.s32 $0xFFFFE000  }
0x86: {  	_ =	swait.ge [sflag:s28], $0x2000  }
0x87: {  	[sflag:s28] =	ssyncset.done $0x0  }
0x88: {  	s31 =	sadd.s32 $0x1, s31;
	[sflag:s28] =	ssyncadd.s32 $0xFFFFE000  }
0x89: {  	p0 =	sne.s32 s31, s10;
	_ =	swait.ge [sflag:s29], $0x2000  }
.Ltmp1:
0x8a: {  	[sflag:s29] =	ssyncset.done $0x0;
	(pc) =	sbr.rel @p0 .LBB2_1-.Ltmp1, $4  }
0x8b: {  	[sflag:s29] =	ssyncadd.s32 $0xFFFFE000  }
0x8c: {  	_ =	swait.ge [sflag:s30], $0x2000  }
0x8d: {  	[sflag:s30] =	ssyncset.done $0x0  }
0x8e: {  	[sflag:s30] =	ssyncadd.s32 $0xFFFFE000  }
0x8f: {  	_ =	sfence.sel $0x180000  }
0x90: {  	[bflag:$0x0] =	sbarrier.arrive $0xFFFF  }
0x91: {  	_ =	strace $0x90000047  }
0x92: {  	s0 =	stileid.u32;
	[bflag:$0x2] =	sbarrier.arrive $0xFFFF  }
0x93: {  	p0 =	sne.s32 s0, $0x0;
	s0 =	rddreg [dreg:$0x2]  }
0x94: {  	s0 =	sadd.s32 @!p0 $0x100000, s0  }
0x95: {  	[sflag:s0] =	ssyncadd.tile.s32 @!p0 $0x1;
	_ =	shalt  }
.Lfunc_end2:
_tile_overlayer_lowered:
.L_overlay_start_2:
0x96: {  	(tag) =	ssettag $0x2  }
0x97: {  	s0 =	rddreg [dreg:$0x0];
	s2 =	stileid.u32  }
0x98: {  	s1 =	rddreg [dreg:$0x1];
	p0 =	sne.s32 s2, $0x0  }
0x99: {  	s3 =	rddreg [dreg:$0x2];
	[bflag:$0x3] =	sbarrier.arrive $0xFFFF;
	s2 =	simm.s32 @!p0 $0x1C09  }
0x9a: {  	[timem:s3], [sflag:s2] =	dma.local @!p0 [hbm:s0], s1  }
0x9b: {  	s0 =	simm.s32 @!p0 $0x9  }
0x9c: {  	_ =	swait.ge @!p0 [sflag:s0], s1  }
0x9d: {  	s1 =	ssub.s32 @!p0 $0x0, s1;
	[sflag:s0] =	ssyncset.done @!p0 $0x0  }
0x9e: {  	[sflag:s0] =	ssyncadd.s32 @!p0 s1  }
0x9f: {  	[bflag:$0x3] =	sbarrier.arrive $0xFFFF  }
0xa0: {  	_ =	shalt  }

// kernel: sparse-core-data-format-call.cloned.1.call-start
scs
called_computation_lowered:
.L_overlay_start_0:
0x0: {  	s2 =	sld [smem:$0x3FD9]  }
0x1: {  	s3 =	sld [smem:$0x3FFE];
	_ =	sdelay $0x1  }
0x2: {  	s1 =	srdreg.scid  }
0x3: {  	s0 =	sand.u32 $0x1, s1  }
0x4: {  	s18 =	sshll.u32 s0, $0xA;
	s2 =	sadd.s32 s3, s2  }
0x5: {  	s2 =	sadd.s32 s2, s18  }
0x6: {  	[smem:$0x3FC6] =	sst s2  }
0x7: {  	_ = 	snop  }
0x8: {  	s2 =	sld [smem:$0x3FD0];
	(tm) =	ssettm $0x1  }
0x9: {  	s19 =	sld [smem:$0x3FFB];
	_ =	sdelay $0x3  }
0xa: {  	_ =	strace s19  }
0xb: {  	s3 =	sld [smem:$0x3FFC];
	_ =	sdelay $0x3  }
0xc: {  	_ =	strace s3  }
0xd: {  	s3 =	sld [smem:$0x3FFD];
	_ =	sdelay $0x3  }
0xe: {  	_ =	strace s3  }
0xf: {  	_ =	strace $0x8FFFFFFF  }
0x10: {  	s20 =	sld [smem:$0x3FDB];
	_ =	sdelay $0x1  }
0x11: {  	s4 =	simm.s32 $_scs_section_size  }
0x12: {  	s5 =	simm.s32 $_size__tile_overlayer_lowered;
	s6 =	simm.s32 $_tile_overlayer_lowered  }
0x13: {  	s23 =	simm.s32 $0x1BFF;
	s22 =	sshll.u32 s6, $0x1;
	s3 =	sadd.s32 s4, s20  }
0x14: {  	s7 =	simm.s32 $0x0;
	s21 =	sshll.u32 s5, $0x1;
	s5 =	sadd.s32 s22, s3  }
0x15: {  	[timem:s7], [sflag:s23] =	dma.local [hbm:s5], s21  }
0x16: {  	_ =	swait.ge [sflag:s23], s21  }
0x17: {  	s4 =	ssub.s32 $0x0, s21;
	[sflag:s23] =	ssyncset.done $0x0  }
0x18: {  	[sflag:s23] =	ssyncadd.s32 s4;
	_ =	sdelay $0x1  }
0x19: {  	s24 =	simm.s32 $0x1B8B  }
0x1a: {  	_ =	swait.ge [sflag:s24], $0x1  }
0x1b: {  	[sflag:s24] =	ssyncset.done $0x0  }
0x1c: {  	s26 =	simm.s32 $0x1B8E;
	s25 =	sld [smem:$0x3FFE];
	[sflag:s24] =	ssyncadd.s32 $0xFFFFFFFF  }
0x1d: {  	s27 =	simm.s32 $execute0_lowered;
	[smem:$0x3FD2] =	sst s26  }
0x1e: {  	s5 =	sshll.u32 s27, $0x1;
	_ =	strace $0x80000049;
	[dreg:$0x1] =	wrdreg $0xFFFFFFFF  }
0x1f: {  	s28 =	simm.s32 $_size_execute0_lowered;
	s3 =	sadd.s32 s3, s5;
	[dreg:$0x0] =	wrdreg $0x0  }
0x20: {  	s5 =	sshll.u32 s28, $0x1;
	[dreg:$0x2] =	wrdreg s3  }
0x21: {  	[dreg:$0x3] =	wrdreg s5  }
0x22: {  	[dreg:$0x4] =	wrdreg $0xC0  }
0x23: {  	_ =	task [dreg:s7], $0x5FFFF  }
0x24: {  	[dreg:$0x1] =	wrdreg $0xFFFFFFFF  }
0x25: {  	[dreg:$0x0] =	wrdreg $0x60  }
0x26: {  	[dreg:$0x2] =	wrdreg s25  }
0x27: {  	[dreg:$0x3] =	wrdreg s2  }
0x28: {  	[dreg:$0x4] =	wrdreg $0x9  }
0x29: {  	_ =	task.clear_ibuf [dreg:s7], $0x5FFFF;
	_ =	strace $0x90000049  }
0x2a: {  	s29 =	simm.s32 $0x9;
	_ =	strace $0x8000004B  }
0x2b: {  	_ =	swait.ge [sflag:s29], $0x1  }
0x2c: {  	[sflag:s29] =	ssyncadd.s32 $0xFFFFFFFF  }
0x2d: {  	_ =	strace $0x9000004B  }
0x2e: {  	_ =	sfence  }
0x2f: {  	s30 =	sld [smem:$0x0];
	_ =	sdelay $0x2  }
0x30: {  	s31 =	sshll.u32 s1, $0xD;
	s1 =	sshrl.u32 s1, $0x2  }
0x31: {  	s3 =	sand.u32 $0x4000, s31;
	s1 =	sadd.s32 s1, s30  }
0x32: {  	s0 =	sor.u32 s3, s0;
	s1 =	sshll.u32 s1, $0x11  }
0x33: {  	s0 =	sor.u32 s1, s0  }
0x34: {  	s0 =	sadd.s32 $0x8F2B, s0  }
0x35: {  	[sflag:s0] =	ssyncadd.remote.s32 $0x1  }
0x36: {  	_ =	sfence.sel $0xFFFF  }
0x37: {  	[dreg:$0x0] =	wrdreg $0xFFFFFFFF;
	(pc) =	sbr.abs _section_cstart, $3  }
0x38: {  	[dreg:$0x1] =	wrdreg $0xFFFFFFFF  }
0x39: {  	_ =	task.clear_ibuf [dreg:s7], $0x2FFFF;
	_ =	strace $0x9FFFFFFF  }
0x3a: {  	(tm) =	ssettm $0x7FFFFFFF  }
0x3b: {  	_ =	shalt  }
tec
execute0_lowered:
.L_overlay_start_1:
0x0: {  	(tag) =	ssettag $0x1  }
0x1: {  	s0 =	srdreg.scid  }
0x2: {  	s1 =	sshll.u32 s0, $0x4  }
0x3: {  	s0 =	stileid.u32;
	s1 =	sand.u32 $0x10, s1  }
0x4: {  	s1 =	sor.u32 s0, s1  }
0x5: {  	s6 =	rddreg [dreg:$0x0];
	s4 =	simm.s32 $0x1;
	s2 =	sshll.u32 s1, $0x7  }
0x6: {  	s7 =	simm.s32 $0x2;
	s12 =	simm.s32 $0x0;
	s1 =	ssub.s32 $0x1000, s2  }
0x7: {  	s8 =	simm.s32 $0x8000;
	s13 =	simm.s32 $0x0;
	s3 =	sand.u32 $0xF80, s1  }
0x8: {  	s9 =	simm.s32 $0x0;
	s5 =	sshrl.u32 s1, $0xC;
	p0 =	sne.s32 s3, $0x0  }
.Ltmp0:
0x9: {  	s1 =	rddreg [dreg:$0x2];
	s4 =	simm.s32 @!p0 $0x0;
	(pc) =	sbr.rel .LBB1_1-.Ltmp0, $4  }
0xa: {  	s11 =	simm.s32 $0x0;
	s3 =	rddreg [dreg:$0x1];
	s5 =	sadd.s32 s4, s5  }
0xb: {  	_ =	strace $0x8000004A;
	s4 =	simm.s32 $0x1;
	s5 =	smul.u32 $0xC8, s5  }
0xc: {  	s6 =	sadd.s32 $0xA00, s6;
	s10 =	smov.u32 s2;
	[sflag:s4] =	ssyncpa.u1 $0x0  }
0xd: {  	p0 =	por $0x0, $0x0;
	[sflag:s7] =	ssyncpa.u1 $0x0;
	s7 =	sor.u32 $0x1, s5  }
.LBB1_4:
0xe: {  	s16 =	sshll.u32 s13, $0x3;
	s17 =	sand.u32 $0x78, s13  }
0xf: {  	s30 =	sand.u32 $0x7E00, s13;
	s12 =	sshll.u32 s12, $0xF;
	s16 =	sand.u32 $0xC00, s16  }
0x10: {  	[tilespmem:s15+$0x810 ss:$0x81] =	vst.msk $0xffff, v2;
	s31 =	sand.u32 $0x7, s13;
	s16 =	sor.u32 s17, s16;
	s17 =	sadd.s32 s3, s30  }
0x11: {  	[tilespmem:s15+$0x1020 ss:$0x81] =	vst.msk $0xffff, v0;
	s13 =	sshll.u32 s31, $0x12;
	s12 =	sadd.s32 s12, s17;
	s16 =	sshrl.u32 s16, $0x3  }
0x12: {  	[tilespmem:s15+$0x0 ss:$0x81] =	vst.msk $0xffff, v1;
	s13 =	sor.u32 $0x400, s13;
	s12 =	sadd.s32 s16, s12  }
0x13: {  	[hbm4b:s12+s13] =	stream.strided.scatter [tilespmem:s14], [sflag:$0x2], $0x2000, s8, s13, $0x20;
	[tilespmem:$0x8080] =	vst v63  }
.LBB1_5:
0x14: {  	s14 =	sadd.s32 $0x1, s9  }
0x15: {  	s12 =	sadd.s32 $0x1000, s10;
	s16 =	smov.u32 s10;
	p2 =	sgt.s32 s14, $0xC7  }
0x16: {  	s16 =	smov.u32 @p2 s12  }
0x17: {  	s14 =	simm.s32 @p2 $0x0;
	p2 =	sgt.s32 s16, $0xFFF  }
0x18: {  	s16 =	smov.u32 @p2 s2;
	p2 =	sne.s32 s11, s7  }
.Ltmp1:
0x19: {  	p1 =	slt.u32 s11, $0x2;
	(pc) =	sbr.rel @!p2 .LBB1_6-.Ltmp1, $4  }
0x1a: {  	s15 =	simm.s32 @!p1 $0x2  }
0x1b: {  	s13 =	smov.u32 s10;
	p0 =	por !p0, !p0;
	_ =	swait.ge @!p1 [sflag:s15], $0x2000  }
0x1c: {  	s12 =	smov.u32 s9;
	[sflag:s15] =	ssyncset.done @!p1 $0x0;
	s9 =	smov.u32 s14  }
0x1d: {  	s11 =	sadd.s32 $0x1, s11;
	[sflag:s15] =	ssyncadd.s32 @!p1 $0xFFFFE000;
	s10 =	smov.u32 s16  }
.LBB1_1:
0x1e: {  	p1 =	sge.u32 s11, s5  }
0x1f: {  	s14 =	sand.u32 @!p1 $0x1FFFFFF, s9  }
0x20: {  	s15 =	smulhi.u32 @!p1 $0x147AE15, s14;
	_ =	sdelay $0x1  }
0x21: {  	s15 =	smul.u32 @!p1 $0xC8, s15  }
0x22: {  	s16 =	sxor.u32 @!p1 $0xFFFFFFFF, s11;
	s17 =	smul.u32 @!p1 $0xC80, s10  }
0x23: {  	s31 =	sadd.s32 $0xFFFFFFFF, s11;
	s16 =	sshll.u32 @!p1 s16, $0xD;
	s14 =	ssub.s32 @!p1 s14, s15  }
0x24: {  	s15 =	sand.u32 @!p1 $0x2000, s16;
	s16 =	sadd.s32 @!p1 s6, s17;
	s14 =	sshll.u32 @!p1 s14, $0x4  }
0x25: {  	s17 =	simm.s32 @!p1 $0x6400;
	s14 =	sadd.s32 @!p1 s14, s16;
	s16 =	simm.s32 @!p1 $0x40  }
0x26: {  	[tilespmem:s15], [sflag:$0x1] =	stream.strided.gather @!p1 [hbm4b:s14+s16], $0x2000, s17, s16, $0x38;
	[tilespmem:$0x8080] =	vst v63  }
0x27: {  	p1 =	sge.u32 s31, s5  }
.Ltmp2:
0x28: {  	_ = 	snop;
	(pc) =	sbr.rel @p1 .LBB1_5-.Ltmp2, $1  }
0x29: {  	_ =	sdelay $0x3  }
0x2a: {  	s14 =	simm.s32 $0x1  }
0x2b: {  	_ =	swait.ge [sflag:s4], $0x2000;
	s14 =	simm.s32 @!p0 $0x0  }
0x2c: {  	[sflag:s4] =	ssyncset.done $0x0;
	s15 =	sshll.u32 s14, $0xD  }
0x2d: {  	[sflag:s4] =	ssyncadd.s32 $0xFFFFE000;
	s18 =	sor.u32 $0x20, s15  }
0x2e: {  	s14 =	smul.u32 $0x8100, s14;
	v3 =	vld [tilespmem:s18+$0x10]  }
0x2f: {  	s30 =	sand.u32 $0x1, s11;
	v2 =	vld [tilespmem:s18+$0xFFFFFFF0]  }
0x30: {  	s15 =	smul.u32 $0x8100, s30;
	s14 =	sshrl.u32 s14, $0x2;
	v0 =	vld [tilespmem:s18+$0x0]  }
0x31: {  	v1 =	vld [tilespmem:s18+$0xFFFFFFE0];
	s16 =	sor.u32 $0x4000, s14  }
0x32: {  	s31 =	sshrl.u32 s15, $0x2;
	s15 =	sadd.s32 $0x0, s16  }
0x33: {  	s17 =	simm.s32 $0x4;
	s18 =	sadd.s32 $0x40, s18;
	s14 =	sor.u32 $0x4000, s31;
	[tilespmem:s15+$0x1830 ss:$0x81] =	vst.msk $0xffff, v3  }
.LBB1_3:
0x34: {  	v3 =	vld [tilespmem:s18+$0x10];
	p1 =	sne.s32 s17, $0x1FC;
	[tilespmem:s15+$0x810 ss:$0x81] =	vst.msk $0xffff, v2;
	s19 =	smov.u32 s17;
	s17 =	sadd.s32 $0x4, s17  }
.Ltmp3:
0x35: {  	v2 =	vld [tilespmem:s18+$0xFFFFFFF0];
	[tilespmem:s15+$0x1020 ss:$0x81] =	vst.msk $0xffff, v0;
	(pc) =	sbr.rel @p1 .LBB1_3-.Ltmp3, $4  }
0x36: {  	v0 =	vld [tilespmem:s18+$0x0];
	[tilespmem:s15+$0x0 ss:$0x81] =	vst.msk $0xffff, v1  }
0x37: {  	s15 =	sshra.s32 s19, $0x2;
	v1 =	vld [tilespmem:s18+$0xFFFFFFE0]  }
0x38: {  	s15 =	sadd.s32 s15, s16  }
0x39: {  	s18 =	sadd.s32 $0x40, s18;
	[tilespmem:s15+$0x1830 ss:$0x81] =	vst.msk $0xffff, v3  }
.Ltmp4:
0x3a: {  	_ = 	snop;
	(pc) =	sbr.rel .LBB1_4-.Ltmp4, $1  }
0x3b: {  	_ =	sdelay $0x3  }
.LBB1_6:
0x3c: {  	_ =	sfence.sel $0x180000  }
0x3d: {  	s2 =	simm.s32 $0x1;
	[bflag:$0x0] =	sbarrier.arrive $0xFFFF  }
0x3e: {  	s31 =	simm.s32 $0x2;
	[sflag:s2] =	ssyncpa.u1 $0x1  }
0x3f: {  	[sflag:s31] =	ssyncpa.u1 $0x1  }
0x40: {  	p0 =	sne.s32 s0, $0x0;
	_ =	strace $0x9000004A  }
0x41: {  	s0 =	sadd.s32 @!p0 $0x100000, s1;
	[bflag:$0x2] =	sbarrier.arrive $0xFFFF  }
0x42: {  	[sflag:s0] =	ssyncadd.tile.s32 @!p0 $0x1;
	_ =	shalt  }
.Lfunc_end1:
_tile_overlayer_lowered:
.L_overlay_start_2:
0x43: {  	(tag) =	ssettag $0x2  }
0x44: {  	s0 =	rddreg [dreg:$0x0];
	s2 =	stileid.u32  }
0x45: {  	s1 =	rddreg [dreg:$0x1];
	p0 =	sne.s32 s2, $0x0  }
0x46: {  	s3 =	rddreg [dreg:$0x2];
	[bflag:$0x3] =	sbarrier.arrive $0xFFFF;
	s2 =	simm.s32 @!p0 $0x1C01  }
0x47: {  	[timem:s3], [sflag:s2] =	dma.local @!p0 [hbm:s0], s1  }
0x48: {  	s0 =	simm.s32 @!p0 $0x1  }
0x49: {  	_ =	swait.ge @!p0 [sflag:s0], s1  }
0x4a: {  	s1 =	ssub.s32 @!p0 $0x0, s1;
	[sflag:s0] =	ssyncset.done @!p0 $0x0  }
0x4b: {  	[sflag:s0] =	ssyncadd.s32 @!p0 s1  }
0x4c: {  	[bflag:$0x3] =	sbarrier.arrive $0xFFFF  }
0x4d: {  	_ =	shalt  }

</sc_bundles>
